<compile_context>
chip_gen: v7x
topology: tpu7x:2x2x1
jax: 0.10.2.dev20260603
libtpu: 0.0.44.dev20260713+nightly
codegen_flags: <defaults>
</compile_context>

<pallas_src>
import jax
import jax.numpy as jnp
from jax import lax
from jax.experimental import pallas as pl
from jax.experimental.pallas import tpu as pltpu
from jax.experimental.pallas import tpu_sc as plsc

VOCAB = 151936
EMBED_DIM = 1024
BATCH = 4
SEQ = 4096
TOTAL = BATCH * SEQ

_INFO = plsc.get_sparse_core_info()
_NC, _NS = _INFO.num_cores, _INFO.num_subcores
_NW = _NC * _NS
_PER_W = TOTAL // _NW
_CHUNK = 8
_NCHUNK = _PER_W // _CHUNK
_NBUF = 8
_W_PER_ROW = SEQ // _PER_W


def _embed_body(ids_hbm, table_hbm, out_hbm, idx_v,
                b0, b1, b2, b3, b4, b5, b6, b7,
                g0, g1, g2, g3, g4, g5, g6, g7,
                w0, w1, w2, w3, w4, w5, w6, w7):
    bufs = (b0, b1, b2, b3, b4, b5, b6, b7)
    gsems = (g0, g1, g2, g3, g4, g5, g6, g7)
    wsems = (w0, w1, w2, w3, w4, w5, w6, w7)
    wid = lax.axis_index("s") * _NC + lax.axis_index("c")
    brow = wid // _W_PER_ROW
    col = (wid % _W_PER_ROW) * _PER_W
    pltpu.sync_copy(ids_hbm.at[brow, pl.ds(col, _PER_W)], idx_v)

    def gather(c, b):
        return pltpu.async_copy(
            table_hbm.at[idx_v.at[pl.ds(c * _CHUNK, _CHUNK)]], bufs[b],
            gsems[b])

    def write(c, b):
        return pltpu.async_copy(
            bufs[b], out_hbm.at[brow, pl.ds(col + c * _CHUNK, _CHUNK)],
            wsems[b])

    def wait_gather(b):
        pltpu.make_async_copy(
            table_hbm.at[idx_v.at[pl.ds(0, _CHUNK)]], bufs[b],
            gsems[b]).wait()

    def wait_write(b):
        pltpu.make_async_copy(
            bufs[b], out_hbm.at[brow, pl.ds(col, _CHUNK)], wsems[b]).wait()

    for b in range(_NBUF):
        gather(b, b)

    @pl.loop(0, _NCHUNK - _NBUF, step=_NBUF)
    def _ring(c0):
        for b in range(_NBUF):
            c = c0 + b
            wait_gather(b)
            write(c, b)
            wait_write(b)
            gather(c + _NBUF, b)

    for b in range(_NBUF):
        wait_gather(b)
        write(_NCHUNK - _NBUF + b, b)
    for b in range(_NBUF):
        wait_write(b)


_embed_call = pl.kernel(
    _embed_body,
    out_type=jax.ShapeDtypeStruct((BATCH, SEQ, EMBED_DIM), jnp.float32),
    mesh=plsc.VectorSubcoreMesh(core_axis_name="c", subcore_axis_name="s"),
    scratch_types=[
        pltpu.VMEM((_PER_W,), jnp.int32),
        pltpu.VMEM((_CHUNK, EMBED_DIM), jnp.float32),
        pltpu.VMEM((_CHUNK, EMBED_DIM), jnp.float32),
        pltpu.VMEM((_CHUNK, EMBED_DIM), jnp.float32),
        pltpu.VMEM((_CHUNK, EMBED_DIM), jnp.float32),
        pltpu.VMEM((_CHUNK, EMBED_DIM), jnp.float32),
        pltpu.VMEM((_CHUNK, EMBED_DIM), jnp.float32),
        pltpu.VMEM((_CHUNK, EMBED_DIM), jnp.float32),
        pltpu.VMEM((_CHUNK, EMBED_DIM), jnp.float32),
    ] + [pltpu.SemaphoreType.DMA] * 16,
)


@jax.jit
def kernel(input_ids, embed_table):
    return _embed_call(input_ids.astype(jnp.int32), embed_table)

# --- scband reference (transcript-rebuilt; emitter-appended) ---
"""Pipeline reference for scband-qwen-token-embedding-wrapper-36120674959976 (READ-ONLY COPY).

The authoritative reference and input builder live on the scoring server;
editing this copy changes nothing except your own understanding.
"""

import jax, jax.numpy as jnp
import numpy as np

VOCAB = 151936
EMBED_DIM = 1024
BATCH = 4
SEQ = 4096

def setup_inputs(seed: int = 0) -> dict:
    key = jax.random.key(seed)
    k_ids, k_tab = jax.random.split(key)
    input_ids = jax.random.randint(k_ids, (BATCH, SEQ), 0, VOCAB, dtype=jnp.int64 if jax.config.jax_enable_x64 else jnp.int32)
    embed_table = jax.random.normal(k_tab, (VOCAB, EMBED_DIM), dtype=jnp.float32) * 0.02
    return {"input_ids": input_ids, "embed_table": embed_table}

def reference(input_ids, embed_table):
    # torch.nn.Embedding lookup: out[b, s, :] = table[input_ids[b, s], :]
    return jnp.take(embed_table, input_ids, axis=0)

if __name__ == "__main__":
    import jax
    _d = setup_inputs()
    print(jax.jit(kernel)(*tuple(_d.values())))

</pallas_src>

<mosaic_0001>
#map = affine_map<(d0, d1) -> (0, 0)>
#map1 = affine_map<(d0, d1) -> (0, 0, 0)>
module attributes {stable_mosaic.version = 14 : i64} {
  func.func @_embed_body(%arg0: i32, %arg1: i32, %arg2: memref<4x4096xi32, #tpu.memory_space<hbm>>, %arg3: memref<151936x1024xf32, #tpu.memory_space<hbm>>, %arg4: memref<4x4096x1024xf32, #tpu.memory_space<hbm>>, %arg5: memref<512xi32, #tpu.memory_space<vmem>>, %arg6: memref<8x1024xf32, #tpu.memory_space<vmem>>, %arg7: memref<8x1024xf32, #tpu.memory_space<vmem>>, %arg8: memref<8x1024xf32, #tpu.memory_space<vmem>>, %arg9: memref<8x1024xf32, #tpu.memory_space<vmem>>, %arg10: memref<8x1024xf32, #tpu.memory_space<vmem>>, %arg11: memref<8x1024xf32, #tpu.memory_space<vmem>>, %arg12: memref<8x1024xf32, #tpu.memory_space<vmem>>, %arg13: memref<8x1024xf32, #tpu.memory_space<vmem>>, %arg14: memref<!tpu.dma_semaphore, #tpu.memory_space<semaphore_mem>>, %arg15: memref<!tpu.dma_semaphore, #tpu.memory_space<semaphore_mem>>, %arg16: memref<!tpu.dma_semaphore, #tpu.memory_space<semaphore_mem>>, %arg17: memref<!tpu.dma_semaphore, #tpu.memory_space<semaphore_mem>>, %arg18: memref<!tpu.dma_semaphore, #tpu.memory_space<semaphore_mem>>, %arg19: memref<!tpu.dma_semaphore, #tpu.memory_space<semaphore_mem>>, %arg20: memref<!tpu.dma_semaphore, #tpu.memory_space<semaphore_mem>>, %arg21: memref<!tpu.dma_semaphore, #tpu.memory_space<semaphore_mem>>, %arg22: memref<!tpu.dma_semaphore, #tpu.memory_space<semaphore_mem>>, %arg23: memref<!tpu.dma_semaphore, #tpu.memory_space<semaphore_mem>>, %arg24: memref<!tpu.dma_semaphore, #tpu.memory_space<semaphore_mem>>, %arg25: memref<!tpu.dma_semaphore, #tpu.memory_space<semaphore_mem>>, %arg26: memref<!tpu.dma_semaphore, #tpu.memory_space<semaphore_mem>>, %arg27: memref<!tpu.dma_semaphore, #tpu.memory_space<semaphore_mem>>, %arg28: memref<!tpu.dma_semaphore, #tpu.memory_space<semaphore_mem>>, %arg29: memref<!tpu.dma_semaphore, #tpu.memory_space<semaphore_mem>>) attributes {dimension_semantics = [#tpu.dimension_semantics<core_parallel>, #tpu.dimension_semantics<subcore_parallel>], iteration_bounds = array<i64: 2, 16>, scalar_prefetch = 0 : i64, scratch_operands = 25 : i64, tpu.core_type = #tpu.core_type<sc_vector_subcore>, window_params = [{transform_indices = #map}, {transform_indices = #map}, {transform_indices = #map1}]} {
    %mul3A = arith.constant 2 : i32
    %mul3A_0 = arith.muli %arg1, %mul3A : i32
    %add3A = arith.addi %mul3A_0, %arg0 : i32
    %jit3A = arith.constant 8 : i32
    %div3A = arith.divsi %add3A, %jit3A : i32
    %sign3A = arith.constant 0 : i32
    %sign3A_1 = arith.cmpi sgt, %add3A, %sign3A : i32
    %sign3A_2 = arith.extui %sign3A_1 : i1 to i32
    %sign3A_3 = arith.constant 0 : i32
    %sign3A_4 = arith.cmpi slt, %add3A, %sign3A_3 : i32
    %sign3A_5 = arith.extui %sign3A_4 : i1 to i32
    %sign3A_6 = arith.subi %sign3A_2, %sign3A_5 : i32
    %sign3A_7 = arith.constant 0 : i32
    %sign3A_8 = arith.cmpi sgt, %jit3A, %sign3A_7 : i32
    %sign3A_9 = arith.extui %sign3A_8 : i1 to i32
    %sign3A_10 = arith.constant 0 : i32
    %sign3A_11 = arith.cmpi slt, %jit3A, %sign3A_10 : i32
    %sign3A_12 = arith.extui %sign3A_11 : i1 to i32
    %sign3A_13 = arith.subi %sign3A_9, %sign3A_12 : i32
    %ne3A = arith.cmpi ne, %sign3A_6, %sign3A_13 : i32
    %rem3A = arith.remsi %add3A, %jit3A : i32
    %ne3A_14 = arith.constant 0 : i32
    %ne3A_15 = arith.cmpi ne, %rem3A, %ne3A_14 : i32
    %and3A = arith.andi %ne3A, %ne3A_15 : i1
    %sub3A = arith.constant 1 : i32
    %sub3A_16 = arith.subi %div3A, %sub3A : i32
    %select_n3A = arith.select %and3A, %sub3A_16, %div3A : i32
    %jit3A_17 = arith.constant 8 : i32
    %eq3A = arith.constant 0 : i32
    %eq3A_18 = arith.cmpi eq, %jit3A_17, %eq3A : i32
    %jit3A_19 = arith.constant 1 : i32
    %select_n3A_20 = arith.select %eq3A_18, %jit3A_19, %jit3A_17 : i32
    %rem3A_21 = arith.remsi %add3A, %select_n3A_20 : i32
    %ne3A_22 = arith.constant 0 : i32
    %ne3A_23 = arith.cmpi ne, %rem3A_21, %ne3A_22 : i32
    %lt3A = arith.constant 0 : i32
    %lt3A_24 = arith.cmpi slt, %rem3A_21, %lt3A : i32
    %lt3A_25 = arith.constant 0 : i32
    %lt3A_26 = arith.cmpi slt, %select_n3A_20, %lt3A_25 : i32
    %ne3A_27 = arith.xori %lt3A_24, %lt3A_26 : i1
    %and3A_28 = arith.andi %ne3A_27, %ne3A_23 : i1
    %add3A_29 = arith.addi %rem3A_21, %select_n3A_20 : i32
    %select_n3A_30 = arith.select %and3A_28, %add3A_29, %rem3A_21 : i32
    %mul3A_31 = arith.constant 512 : i32
    %mul3A_32 = arith.muli %select_n3A_30, %mul3A_31 : i32
    "tpu.region"() ({
      %run_scoped3A = tpu.sem_alloc : memref<!tpu.dma_semaphore, #tpu.memory_space<semaphore_mem>>
      %dma_start3A_227 = tpu.memref_slice %arg2[%select_n3A, %mul3A_32] : memref<4x4096xi32, #tpu.memory_space<hbm>> -> memref<1x512xi32, #tpu.memory_space<hbm>>
      %dma_start3A_228 = tpu.memref_squeeze %dma_start3A_227 : memref<1x512xi32, #tpu.memory_space<hbm>> -> memref<512xi32, #tpu.memory_space<hbm>>
      %dma_start3A_229 = tpu.memref_slice %arg2[%select_n3A, %mul3A_32] : memref<4x4096xi32, #tpu.memory_space<hbm>> -> memref<1x512xi32, #tpu.memory_space<hbm>>
      %dma_start3A_230 = tpu.memref_squeeze %dma_start3A_229 : memref<1x512xi32, #tpu.memory_space<hbm>> -> memref<512xi32, #tpu.memory_space<hbm>>
      tpu.enqueue_dma source(%dma_start3A_230 : memref<512xi32, #tpu.memory_space<hbm>>) target(%arg5 : memref<512xi32, #tpu.memory_space<vmem>>) target_semaphore(%run_scoped3A : memref<!tpu.dma_semaphore, #tpu.memory_space<semaphore_mem>>)
      %dma_wait3A_231 = tpu.memref_slice %arg2[%select_n3A, %mul3A_32] : memref<4x4096xi32, #tpu.memory_space<hbm>> -> memref<1x512xi32, #tpu.memory_space<hbm>>
      %dma_wait3A_232 = tpu.memref_squeeze %dma_wait3A_231 : memref<1x512xi32, #tpu.memory_space<hbm>> -> memref<512xi32, #tpu.memory_space<hbm>>
      %dma_wait3A_233 = tpu.memref_slice %arg2[%select_n3A, %mul3A_32] : memref<4x4096xi32, #tpu.memory_space<hbm>> -> memref<1x512xi32, #tpu.memory_space<hbm>>
      %dma_wait3A_234 = tpu.memref_squeeze %dma_wait3A_233 : memref<1x512xi32, #tpu.memory_space<hbm>> -> memref<512xi32, #tpu.memory_space<hbm>>
      tpu.wait_dma2 semaphore(%run_scoped3A : memref<!tpu.dma_semaphore, #tpu.memory_space<semaphore_mem>>) src(%dma_wait3A_234 : memref<512xi32, #tpu.memory_space<hbm>>) dst(%arg5 : memref<512xi32, #tpu.memory_space<vmem>>)
      tpu.yield
    }) : () -> ()
    %dma_start3A = arith.constant 0 : i32
    %dma_start3A_33 = tpu.memref_slice %arg5[%dma_start3A] : memref<512xi32, #tpu.memory_space<vmem>> -> memref<8xi32, #tpu.memory_space<vmem>>
    %dma_start3A_34 = arith.constant 0 : i32
    %dma_start3A_35 = arith.constant 0 : i32
    %dma_start3A_36 = tpu.memref_slice %arg3[%dma_start3A_34, %dma_start3A_35] : memref<151936x1024xf32, #tpu.memory_space<hbm>> -> memref<151936x1024xf32, #tpu.memory_space<hbm>>
    tpu.enqueue_indirect_dma source(%dma_start3A_36 : memref<151936x1024xf32, #tpu.memory_space<hbm>>) target(%arg6 : memref<8x1024xf32, #tpu.memory_space<vmem>>) offsets(%dma_start3A_33 : memref<8xi32, #tpu.memory_space<vmem>>) semaphore(%arg14 : memref<!tpu.dma_semaphore, #tpu.memory_space<semaphore_mem>>)
    %dma_start3A_37 = arith.constant 8 : i32
    %dma_start3A_38 = tpu.memref_slice %arg5[%dma_start3A_37] : memref<512xi32, #tpu.memory_space<vmem>> -> memref<8xi32, #tpu.memory_space<vmem>>
    %dma_start3A_39 = arith.constant 0 : i32
    %dma_start3A_40 = arith.constant 0 : i32
    %dma_start3A_41 = tpu.memref_slice %arg3[%dma_start3A_39, %dma_start3A_40] : memref<151936x1024xf32, #tpu.memory_space<hbm>> -> memref<151936x1024xf32, #tpu.memory_space<hbm>>
    tpu.enqueue_indirect_dma source(%dma_start3A_41 : memref<151936x1024xf32, #tpu.memory_space<hbm>>) target(%arg7 : memref<8x1024xf32, #tpu.memory_space<vmem>>) offsets(%dma_start3A_38 : memref<8xi32, #tpu.memory_space<vmem>>) semaphore(%arg15 : memref<!tpu.dma_semaphore, #tpu.memory_space<semaphore_mem>>)
    %dma_start3A_42 = arith.constant 16 : i32
    %dma_start3A_43 = tpu.memref_slice %arg5[%dma_start3A_42] : memref<512xi32, #tpu.memory_space<vmem>> -> memref<8xi32, #tpu.memory_space<vmem>>
    %dma_start3A_44 = arith.constant 0 : i32
    %dma_start3A_45 = arith.constant 0 : i32
    %dma_start3A_46 = tpu.memref_slice %arg3[%dma_start3A_44, %dma_start3A_45] : memref<151936x1024xf32, #tpu.memory_space<hbm>> -> memref<151936x1024xf32, #tpu.memory_space<hbm>>
    tpu.enqueue_indirect_dma source(%dma_start3A_46 : memref<151936x1024xf32, #tpu.memory_space<hbm>>) target(%arg8 : memref<8x1024xf32, #tpu.memory_space<vmem>>) offsets(%dma_start3A_43 : memref<8xi32, #tpu.memory_space<vmem>>) semaphore(%arg16 : memref<!tpu.dma_semaphore, #tpu.memory_space<semaphore_mem>>)
    %dma_start3A_47 = arith.constant 24 : i32
    %dma_start3A_48 = tpu.memref_slice %arg5[%dma_start3A_47] : memref<512xi32, #tpu.memory_space<vmem>> -> memref<8xi32, #tpu.memory_space<vmem>>
    %dma_start3A_49 = arith.constant 0 : i32
    %dma_start3A_50 = arith.constant 0 : i32
    %dma_start3A_51 = tpu.memref_slice %arg3[%dma_start3A_49, %dma_start3A_50] : memref<151936x1024xf32, #tpu.memory_space<hbm>> -> memref<151936x1024xf32, #tpu.memory_space<hbm>>
    tpu.enqueue_indirect_dma source(%dma_start3A_51 : memref<151936x1024xf32, #tpu.memory_space<hbm>>) target(%arg9 : memref<8x1024xf32, #tpu.memory_space<vmem>>) offsets(%dma_start3A_48 : memref<8xi32, #tpu.memory_space<vmem>>) semaphore(%arg17 : memref<!tpu.dma_semaphore, #tpu.memory_space<semaphore_mem>>)
    %dma_start3A_52 = arith.constant 32 : i32
    %dma_start3A_53 = tpu.memref_slice %arg5[%dma_start3A_52] : memref<512xi32, #tpu.memory_space<vmem>> -> memref<8xi32, #tpu.memory_space<vmem>>
    %dma_start3A_54 = arith.constant 0 : i32
    %dma_start3A_55 = arith.constant 0 : i32
    %dma_start3A_56 = tpu.memref_slice %arg3[%dma_start3A_54, %dma_start3A_55] : memref<151936x1024xf32, #tpu.memory_space<hbm>> -> memref<151936x1024xf32, #tpu.memory_space<hbm>>
    tpu.enqueue_indirect_dma source(%dma_start3A_56 : memref<151936x1024xf32, #tpu.memory_space<hbm>>) target(%arg10 : memref<8x1024xf32, #tpu.memory_space<vmem>>) offsets(%dma_start3A_53 : memref<8xi32, #tpu.memory_space<vmem>>) semaphore(%arg18 : memref<!tpu.dma_semaphore, #tpu.memory_space<semaphore_mem>>)
    %dma_start3A_57 = arith.constant 40 : i32
    %dma_start3A_58 = tpu.memref_slice %arg5[%dma_start3A_57] : memref<512xi32, #tpu.memory_space<vmem>> -> memref<8xi32, #tpu.memory_space<vmem>>
    %dma_start3A_59 = arith.constant 0 : i32
    %dma_start3A_60 = arith.constant 0 : i32
    %dma_start3A_61 = tpu.memref_slice %arg3[%dma_start3A_59, %dma_start3A_60] : memref<151936x1024xf32, #tpu.memory_space<hbm>> -> memref<151936x1024xf32, #tpu.memory_space<hbm>>
    tpu.enqueue_indirect_dma source(%dma_start3A_61 : memref<151936x1024xf32, #tpu.memory_space<hbm>>) target(%arg11 : memref<8x1024xf32, #tpu.memory_space<vmem>>) offsets(%dma_start3A_58 : memref<8xi32, #tpu.memory_space<vmem>>) semaphore(%arg19 : memref<!tpu.dma_semaphore, #tpu.memory_space<semaphore_mem>>)
    %dma_start3A_62 = arith.constant 48 : i32
    %dma_start3A_63 = tpu.memref_slice %arg5[%dma_start3A_62] : memref<512xi32, #tpu.memory_space<vmem>> -> memref<8xi32, #tpu.memory_space<vmem>>
    %dma_start3A_64 = arith.constant 0 : i32
    %dma_start3A_65 = arith.constant 0 : i32
    %dma_start3A_66 = tpu.memref_slice %arg3[%dma_start3A_64, %dma_start3A_65] : memref<151936x1024xf32, #tpu.memory_space<hbm>> -> memref<151936x1024xf32, #tpu.memory_space<hbm>>
    tpu.enqueue_indirect_dma source(%dma_start3A_66 : memref<151936x1024xf32, #tpu.memory_space<hbm>>) target(%arg12 : memref<8x1024xf32, #tpu.memory_space<vmem>>) offsets(%dma_start3A_63 : memref<8xi32, #tpu.memory_space<vmem>>) semaphore(%arg20 : memref<!tpu.dma_semaphore, #tpu.memory_space<semaphore_mem>>)
    %dma_start3A_67 = arith.constant 56 : i32
    %dma_start3A_68 = tpu.memref_slice %arg5[%dma_start3A_67] : memref<512xi32, #tpu.memory_space<vmem>> -> memref<8xi32, #tpu.memory_space<vmem>>
    %dma_start3A_69 = arith.constant 0 : i32
    %dma_start3A_70 = arith.constant 0 : i32
    %dma_start3A_71 = tpu.memref_slice %arg3[%dma_start3A_69, %dma_start3A_70] : memref<151936x1024xf32, #tpu.memory_space<hbm>> -> memref<151936x1024xf32, #tpu.memory_space<hbm>>
    tpu.enqueue_indirect_dma source(%dma_start3A_71 : memref<151936x1024xf32, #tpu.memory_space<hbm>>) target(%arg13 : memref<8x1024xf32, #tpu.memory_space<vmem>>) offsets(%dma_start3A_68 : memref<8xi32, #tpu.memory_space<vmem>>) semaphore(%arg21 : memref<!tpu.dma_semaphore, #tpu.memory_space<semaphore_mem>>)
    %scan3A = arith.constant 0 : i32
    %scan3A_72 = arith.constant 7 : i32
    %scan3A_73 = arith.addi %scan3A, %scan3A_72 : i32
    %scan3A_74 = arith.constant 1 : i32
    scf.for %scan3A_227 = %scan3A to %scan3A_73 step %scan3A_74  : i32 {
      %mul3A_228 = arith.constant 8 : i32
      %mul3A_229 = arith.muli %scan3A_227, %mul3A_228 : i32
      %add3A_230 = arith.constant 0 : i32
      %add3A_231 = arith.addi %add3A_230, %mul3A_229 : i32
      %add3A_232 = arith.constant 0 : i32
      %add3A_233 = arith.addi %add3A_231, %add3A_232 : i32
      %dma_wait3A_234 = arith.constant 0 : i32
      %dma_wait3A_235 = tpu.memref_slice %arg5[%dma_wait3A_234] : memref<512xi32, #tpu.memory_space<vmem>> -> memref<8xi32, #tpu.memory_space<vmem>>
      %dma_wait3A_236 = arith.constant 0 : i32
      %dma_wait3A_237 = arith.constant 0 : i32
      %dma_wait3A_238 = tpu.memref_slice %arg3[%dma_wait3A_236, %dma_wait3A_237] : memref<151936x1024xf32, #tpu.memory_space<hbm>> -> memref<151936x1024xf32, #tpu.memory_space<hbm>>
      tpu.wait_indirect_dma semaphore(%arg14 : memref<!tpu.dma_semaphore, #tpu.memory_space<semaphore_mem>>) src(%dma_wait3A_238 : memref<151936x1024xf32, #tpu.memory_space<hbm>>) dst(%arg6 : memref<8x1024xf32, #tpu.memory_space<vmem>>)
      %mul3A_239 = arith.constant 8 : i32
      %mul3A_240 = arith.muli %add3A_233, %mul3A_239 : i32
      %add3A_241 = arith.addi %mul3A_32, %mul3A_240 : i32
      %dma_start3A_242 = arith.constant 0 : i32
      %dma_start3A_243 = tpu.memref_slice %arg4[%select_n3A, %add3A_241, %dma_start3A_242] : memref<4x4096x1024xf32, #tpu.memory_space<hbm>> -> memref<1x8x1024xf32, #tpu.memory_space<hbm>>
      %dma_start3A_244 = tpu.memref_squeeze %dma_start3A_243 : memref<1x8x1024xf32, #tpu.memory_space<hbm>> -> memref<8x1024xf32, #tpu.memory_space<hbm>>
      %dma_start3A_245 = arith.constant 0 : i32
      %dma_start3A_246 = tpu.memref_slice %arg4[%select_n3A, %add3A_241, %dma_start3A_245] : memref<4x4096x1024xf32, #tpu.memory_space<hbm>> -> memref<1x8x1024xf32, #tpu.memory_space<hbm>>
      %dma_start3A_247 = tpu.memref_squeeze %dma_start3A_246 : memref<1x8x1024xf32, #tpu.memory_space<hbm>> -> memref<8x1024xf32, #tpu.memory_space<hbm>>
      tpu.enqueue_dma source(%arg6 : memref<8x1024xf32, #tpu.memory_space<vmem>>) target(%dma_start3A_247 : memref<8x1024xf32, #tpu.memory_space<hbm>>) target_semaphore(%arg22 : memref<!tpu.dma_semaphore, #tpu.memory_space<semaphore_mem>>)
      %dma_wait3A_248 = arith.constant 0 : i32
      %dma_wait3A_249 = tpu.memref_slice %arg4[%select_n3A, %mul3A_32, %dma_wait3A_248] : memref<4x4096x1024xf32, #tpu.memory_space<hbm>> -> memref<1x8x1024xf32, #tpu.memory_space<hbm>>
      %dma_wait3A_250 = tpu.memref_squeeze %dma_wait3A_249 : memref<1x8x1024xf32, #tpu.memory_space<hbm>> -> memref<8x1024xf32, #tpu.memory_space<hbm>>
      %dma_wait3A_251 = arith.constant 0 : i32
      %dma_wait3A_252 = tpu.memref_slice %arg4[%select_n3A, %mul3A_32, %dma_wait3A_251] : memref<4x4096x1024xf32, #tpu.memory_space<hbm>> -> memref<1x8x1024xf32, #tpu.memory_space<hbm>>
      %dma_wait3A_253 = tpu.memref_squeeze %dma_wait3A_252 : memref<1x8x1024xf32, #tpu.memory_space<hbm>> -> memref<8x1024xf32, #tpu.memory_space<hbm>>
      tpu.wait_dma2 semaphore(%arg22 : memref<!tpu.dma_semaphore, #tpu.memory_space<semaphore_mem>>) src(%arg6 : memref<8x1024xf32, #tpu.memory_space<vmem>>) dst(%dma_wait3A_253 : memref<8x1024xf32, #tpu.memory_space<hbm>>)
      %add3A_254 = arith.constant 8 : i32
      %add3A_255 = arith.addi %add3A_233, %add3A_254 : i32
      %mul3A_256 = arith.constant 8 : i32
      %mul3A_257 = arith.muli %add3A_255, %mul3A_256 : i32
      %dma_start3A_258 = tpu.memref_slice %arg5[%mul3A_257] : memref<512xi32, #tpu.memory_space<vmem>> -> memref<8xi32, #tpu.memory_space<vmem>>
      %dma_start3A_259 = arith.constant 0 : i32
      %dma_start3A_260 = arith.constant 0 : i32
      %dma_start3A_261 = tpu.memref_slice %arg3[%dma_start3A_259, %dma_start3A_260] : memref<151936x1024xf32, #tpu.memory_space<hbm>> -> memref<151936x1024xf32, #tpu.memory_space<hbm>>
      tpu.enqueue_indirect_dma source(%dma_start3A_261 : memref<151936x1024xf32, #tpu.memory_space<hbm>>) target(%arg6 : memref<8x1024xf32, #tpu.memory_space<vmem>>) offsets(%dma_start3A_258 : memref<8xi32, #tpu.memory_space<vmem>>) semaphore(%arg14 : memref<!tpu.dma_semaphore, #tpu.memory_space<semaphore_mem>>)
      %add3A_262 = arith.constant 1 : i32
      %add3A_263 = arith.addi %add3A_231, %add3A_262 : i32
      %dma_wait3A_264 = arith.constant 0 : i32
      %dma_wait3A_265 = tpu.memref_slice %arg5[%dma_wait3A_264] : memref<512xi32, #tpu.memory_space<vmem>> -> memref<8xi32, #tpu.memory_space<vmem>>
      %dma_wait3A_266 = arith.constant 0 : i32
      %dma_wait3A_267 = arith.constant 0 : i32
      %dma_wait3A_268 = tpu.memref_slice %arg3[%dma_wait3A_266, %dma_wait3A_267] : memref<151936x1024xf32, #tpu.memory_space<hbm>> -> memref<151936x1024xf32, #tpu.memory_space<hbm>>
      tpu.wait_indirect_dma semaphore(%arg15 : memref<!tpu.dma_semaphore, #tpu.memory_space<semaphore_mem>>) src(%dma_wait3A_268 : memref<151936x1024xf32, #tpu.memory_space<hbm>>) dst(%arg7 : memref<8x1024xf32, #tpu.memory_space<vmem>>)
      %mul3A_269 = arith.constant 8 : i32
      %mul3A_270 = arith.muli %add3A_263, %mul3A_269 : i32
      %add3A_271 = arith.addi %mul3A_32, %mul3A_270 : i32
      %dma_start3A_272 = arith.constant 0 : i32
      %dma_start3A_273 = tpu.memref_slice %arg4[%select_n3A, %add3A_271, %dma_start3A_272] : memref<4x4096x1024xf32, #tpu.memory_space<hbm>> -> memref<1x8x1024xf32, #tpu.memory_space<hbm>>
      %dma_start3A_274 = tpu.memref_squeeze %dma_start3A_273 : memref<1x8x1024xf32, #tpu.memory_space<hbm>> -> memref<8x1024xf32, #tpu.memory_space<hbm>>
      %dma_start3A_275 = arith.constant 0 : i32
      %dma_start3A_276 = tpu.memref_slice %arg4[%select_n3A, %add3A_271, %dma_start3A_275] : memref<4x4096x1024xf32, #tpu.memory_space<hbm>> -> memref<1x8x1024xf32, #tpu.memory_space<hbm>>
      %dma_start3A_277 = tpu.memref_squeeze %dma_start3A_276 : memref<1x8x1024xf32, #tpu.memory_space<hbm>> -> memref<8x1024xf32, #tpu.memory_space<hbm>>
      tpu.enqueue_dma source(%arg7 : memref<8x1024xf32, #tpu.memory_space<vmem>>) target(%dma_start3A_277 : memref<8x1024xf32, #tpu.memory_space<hbm>>) target_semaphore(%arg23 : memref<!tpu.dma_semaphore, #tpu.memory_space<semaphore_mem>>)
      %dma_wait3A_278 = arith.constant 0 : i32
      %dma_wait3A_279 = tpu.memref_slice %arg4[%select_n3A, %mul3A_32, %dma_wait3A_278] : memref<4x4096x1024xf32, #tpu.memory_space<hbm>> -> memref<1x8x1024xf32, #tpu.memory_space<hbm>>
      %dma_wait3A_280 = tpu.memref_squeeze %dma_wait3A_279 : memref<1x8x1024xf32, #tpu.memory_space<hbm>> -> memref<8x1024xf32, #tpu.memory_space<hbm>>
      %dma_wait3A_281 = arith.constant 0 : i32
      %dma_wait3A_282 = tpu.memref_slice %arg4[%select_n3A, %mul3A_32, %dma_wait3A_281] : memref<4x4096x1024xf32, #tpu.memory_space<hbm>> -> memref<1x8x1024xf32, #tpu.memory_space<hbm>>
      %dma_wait3A_283 = tpu.memref_squeeze %dma_wait3A_282 : memref<1x8x1024xf32, #tpu.memory_space<hbm>> -> memref<8x1024xf32, #tpu.memory_space<hbm>>
      tpu.wait_dma2 semaphore(%arg23 : memref<!tpu.dma_semaphore, #tpu.memory_space<semaphore_mem>>) src(%arg7 : memref<8x1024xf32, #tpu.memory_space<vmem>>) dst(%dma_wait3A_283 : memref<8x1024xf32, #tpu.memory_space<hbm>>)
      %add3A_284 = arith.constant 8 : i32
      %add3A_285 = arith.addi %add3A_263, %add3A_284 : i32
      %mul3A_286 = arith.constant 8 : i32
      %mul3A_287 = arith.muli %add3A_285, %mul3A_286 : i32
      %dma_start3A_288 = tpu.memref_slice %arg5[%mul3A_287] : memref<512xi32, #tpu.memory_space<vmem>> -> memref<8xi32, #tpu.memory_space<vmem>>
      %dma_start3A_289 = arith.constant 0 : i32
      %dma_start3A_290 = arith.constant 0 : i32
      %dma_start3A_291 = tpu.memref_slice %arg3[%dma_start3A_289, %dma_start3A_290] : memref<151936x1024xf32, #tpu.memory_space<hbm>> -> memref<151936x1024xf32, #tpu.memory_space<hbm>>
      tpu.enqueue_indirect_dma source(%dma_start3A_291 : memref<151936x1024xf32, #tpu.memory_space<hbm>>) target(%arg7 : memref<8x1024xf32, #tpu.memory_space<vmem>>) offsets(%dma_start3A_288 : memref<8xi32, #tpu.memory_space<vmem>>) semaphore(%arg15 : memref<!tpu.dma_semaphore, #tpu.memory_space<semaphore_mem>>)
      %add3A_292 = arith.constant 2 : i32
      %add3A_293 = arith.addi %add3A_231, %add3A_292 : i32
      %dma_wait3A_294 = arith.constant 0 : i32
      %dma_wait3A_295 = tpu.memref_slice %arg5[%dma_wait3A_294] : memref<512xi32, #tpu.memory_space<vmem>> -> memref<8xi32, #tpu.memory_space<vmem>>
      %dma_wait3A_296 = arith.constant 0 : i32
      %dma_wait3A_297 = arith.constant 0 : i32
      %dma_wait3A_298 = tpu.memref_slice %arg3[%dma_wait3A_296, %dma_wait3A_297] : memref<151936x1024xf32, #tpu.memory_space<hbm>> -> memref<151936x1024xf32, #tpu.memory_space<hbm>>
      tpu.wait_indirect_dma semaphore(%arg16 : memref<!tpu.dma_semaphore, #tpu.memory_space<semaphore_mem>>) src(%dma_wait3A_298 : memref<151936x1024xf32, #tpu.memory_space<hbm>>) dst(%arg8 : memref<8x1024xf32, #tpu.memory_space<vmem>>)
      %mul3A_299 = arith.constant 8 : i32
      %mul3A_300 = arith.muli %add3A_293, %mul3A_299 : i32
      %add3A_301 = arith.addi %mul3A_32, %mul3A_300 : i32
      %dma_start3A_302 = arith.constant 0 : i32
      %dma_start3A_303 = tpu.memref_slice %arg4[%select_n3A, %add3A_301, %dma_start3A_302] : memref<4x4096x1024xf32, #tpu.memory_space<hbm>> -> memref<1x8x1024xf32, #tpu.memory_space<hbm>>
      %dma_start3A_304 = tpu.memref_squeeze %dma_start3A_303 : memref<1x8x1024xf32, #tpu.memory_space<hbm>> -> memref<8x1024xf32, #tpu.memory_space<hbm>>
      %dma_start3A_305 = arith.constant 0 : i32
      %dma_start3A_306 = tpu.memref_slice %arg4[%select_n3A, %add3A_301, %dma_start3A_305] : memref<4x4096x1024xf32, #tpu.memory_space<hbm>> -> memref<1x8x1024xf32, #tpu.memory_space<hbm>>
      %dma_start3A_307 = tpu.memref_squeeze %dma_start3A_306 : memref<1x8x1024xf32, #tpu.memory_space<hbm>> -> memref<8x1024xf32, #tpu.memory_space<hbm>>
      tpu.enqueue_dma source(%arg8 : memref<8x1024xf32, #tpu.memory_space<vmem>>) target(%dma_start3A_307 : memref<8x1024xf32, #tpu.memory_space<hbm>>) target_semaphore(%arg24 : memref<!tpu.dma_semaphore, #tpu.memory_space<semaphore_mem>>)
      %dma_wait3A_308 = arith.constant 0 : i32
      %dma_wait3A_309 = tpu.memref_slice %arg4[%select_n3A, %mul3A_32, %dma_wait3A_308] : memref<4x4096x1024xf32, #tpu.memory_space<hbm>> -> memref<1x8x1024xf32, #tpu.memory_space<hbm>>
      %dma_wait3A_310 = tpu.memref_squeeze %dma_wait3A_309 : memref<1x8x1024xf32, #tpu.memory_space<hbm>> -> memref<8x1024xf32, #tpu.memory_space<hbm>>
      %dma_wait3A_311 = arith.constant 0 : i32
      %dma_wait3A_312 = tpu.memref_slice %arg4[%select_n3A, %mul3A_32, %dma_wait3A_311] : memref<4x4096x1024xf32, #tpu.memory_space<hbm>> -> memref<1x8x1024xf32, #tpu.memory_space<hbm>>
      %dma_wait3A_313 = tpu.memref_squeeze %dma_wait3A_312 : memref<1x8x1024xf32, #tpu.memory_space<hbm>> -> memref<8x1024xf32, #tpu.memory_space<hbm>>
      tpu.wait_dma2 semaphore(%arg24 : memref<!tpu.dma_semaphore, #tpu.memory_space<semaphore_mem>>) src(%arg8 : memref<8x1024xf32, #tpu.memory_space<vmem>>) dst(%dma_wait3A_313 : memref<8x1024xf32, #tpu.memory_space<hbm>>)
      %add3A_314 = arith.constant 8 : i32
      %add3A_315 = arith.addi %add3A_293, %add3A_314 : i32
      %mul3A_316 = arith.constant 8 : i32
      %mul3A_317 = arith.muli %add3A_315, %mul3A_316 : i32
      %dma_start3A_318 = tpu.memref_slice %arg5[%mul3A_317] : memref<512xi32, #tpu.memory_space<vmem>> -> memref<8xi32, #tpu.memory_space<vmem>>
      %dma_start3A_319 = arith.constant 0 : i32
      %dma_start3A_320 = arith.constant 0 : i32
      %dma_start3A_321 = tpu.memref_slice %arg3[%dma_start3A_319, %dma_start3A_320] : memref<151936x1024xf32, #tpu.memory_space<hbm>> -> memref<151936x1024xf32, #tpu.memory_space<hbm>>
      tpu.enqueue_indirect_dma source(%dma_start3A_321 : memref<151936x1024xf32, #tpu.memory_space<hbm>>) target(%arg8 : memref<8x1024xf32, #tpu.memory_space<vmem>>) offsets(%dma_start3A_318 : memref<8xi32, #tpu.memory_space<vmem>>) semaphore(%arg16 : memref<!tpu.dma_semaphore, #tpu.memory_space<semaphore_mem>>)
      %add3A_322 = arith.constant 3 : i32
      %add3A_323 = arith.addi %add3A_231, %add3A_322 : i32
      %dma_wait3A_324 = arith.constant 0 : i32
      %dma_wait3A_325 = tpu.memref_slice %arg5[%dma_wait3A_324] : memref<512xi32, #tpu.memory_space<vmem>> -> memref<8xi32, #tpu.memory_space<vmem>>
      %dma_wait3A_326 = arith.constant 0 : i32
      %dma_wait3A_327 = arith.constant 0 : i32
      %dma_wait3A_328 = tpu.memref_slice %arg3[%dma_wait3A_326, %dma_wait3A_327] : memref<151936x1024xf32, #tpu.memory_space<hbm>> -> memref<151936x1024xf32, #tpu.memory_space<hbm>>
      tpu.wait_indirect_dma semaphore(%arg17 : memref<!tpu.dma_semaphore, #tpu.memory_space<semaphore_mem>>) src(%dma_wait3A_328 : memref<151936x1024xf32, #tpu.memory_space<hbm>>) dst(%arg9 : memref<8x1024xf32, #tpu.memory_space<vmem>>)
      %mul3A_329 = arith.constant 8 : i32
      %mul3A_330 = arith.muli %add3A_323, %mul3A_329 : i32
      %add3A_331 = arith.addi %mul3A_32, %mul3A_330 : i32
      %dma_start3A_332 = arith.constant 0 : i32
      %dma_start3A_333 = tpu.memref_slice %arg4[%select_n3A, %add3A_331, %dma_start3A_332] : memref<4x4096x1024xf32, #tpu.memory_space<hbm>> -> memref<1x8x1024xf32, #tpu.memory_space<hbm>>
      %dma_start3A_334 = tpu.memref_squeeze %dma_start3A_333 : memref<1x8x1024xf32, #tpu.memory_space<hbm>> -> memref<8x1024xf32, #tpu.memory_space<hbm>>
      %dma_start3A_335 = arith.constant 0 : i32
      %dma_start3A_336 = tpu.memref_slice %arg4[%select_n3A, %add3A_331, %dma_start3A_335] : memref<4x4096x1024xf32, #tpu.memory_space<hbm>> -> memref<1x8x1024xf32, #tpu.memory_space<hbm>>
      %dma_start3A_337 = tpu.memref_squeeze %dma_start3A_336 : memref<1x8x1024xf32, #tpu.memory_space<hbm>> -> memref<8x1024xf32, #tpu.memory_space<hbm>>
      tpu.enqueue_dma source(%arg9 : memref<8x1024xf32, #tpu.memory_space<vmem>>) target(%dma_start3A_337 : memref<8x1024xf32, #tpu.memory_space<hbm>>) target_semaphore(%arg25 : memref<!tpu.dma_semaphore, #tpu.memory_space<semaphore_mem>>)
      %dma_wait3A_338 = arith.constant 0 : i32
      %dma_wait3A_339 = tpu.memref_slice %arg4[%select_n3A, %mul3A_32, %dma_wait3A_338] : memref<4x4096x1024xf32, #tpu.memory_space<hbm>> -> memref<1x8x1024xf32, #tpu.memory_space<hbm>>
      %dma_wait3A_340 = tpu.memref_squeeze %dma_wait3A_339 : memref<1x8x1024xf32, #tpu.memory_space<hbm>> -> memref<8x1024xf32, #tpu.memory_space<hbm>>
      %dma_wait3A_341 = arith.constant 0 : i32
      %dma_wait3A_342 = tpu.memref_slice %arg4[%select_n3A, %mul3A_32, %dma_wait3A_341] : memref<4x4096x1024xf32, #tpu.memory_space<hbm>> -> memref<1x8x1024xf32, #tpu.memory_space<hbm>>
      %dma_wait3A_343 = tpu.memref_squeeze %dma_wait3A_342 : memref<1x8x1024xf32, #tpu.memory_space<hbm>> -> memref<8x1024xf32, #tpu.memory_space<hbm>>
      tpu.wait_dma2 semaphore(%arg25 : memref<!tpu.dma_semaphore, #tpu.memory_space<semaphore_mem>>) src(%arg9 : memref<8x1024xf32, #tpu.memory_space<vmem>>) dst(%dma_wait3A_343 : memref<8x1024xf32, #tpu.memory_space<hbm>>)
      %add3A_344 = arith.constant 8 : i32
      %add3A_345 = arith.addi %add3A_323, %add3A_344 : i32
      %mul3A_346 = arith.constant 8 : i32
      %mul3A_347 = arith.muli %add3A_345, %mul3A_346 : i32
      %dma_start3A_348 = tpu.memref_slice %arg5[%mul3A_347] : memref<512xi32, #tpu.memory_space<vmem>> -> memref<8xi32, #tpu.memory_space<vmem>>
      %dma_start3A_349 = arith.constant 0 : i32
      %dma_start3A_350 = arith.constant 0 : i32
      %dma_start3A_351 = tpu.memref_slice %arg3[%dma_start3A_349, %dma_start3A_350] : memref<151936x1024xf32, #tpu.memory_space<hbm>> -> memref<151936x1024xf32, #tpu.memory_space<hbm>>
      tpu.enqueue_indirect_dma source(%dma_start3A_351 : memref<151936x1024xf32, #tpu.memory_space<hbm>>) target(%arg9 : memref<8x1024xf32, #tpu.memory_space<vmem>>) offsets(%dma_start3A_348 : memref<8xi32, #tpu.memory_space<vmem>>) semaphore(%arg17 : memref<!tpu.dma_semaphore, #tpu.memory_space<semaphore_mem>>)
      %add3A_352 = arith.constant 4 : i32
      %add3A_353 = arith.addi %add3A_231, %add3A_352 : i32
      %dma_wait3A_354 = arith.constant 0 : i32
      %dma_wait3A_355 = tpu.memref_slice %arg5[%dma_wait3A_354] : memref<512xi32, #tpu.memory_space<vmem>> -> memref<8xi32, #tpu.memory_space<vmem>>
      %dma_wait3A_356 = arith.constant 0 : i32
      %dma_wait3A_357 = arith.constant 0 : i32
      %dma_wait3A_358 = tpu.memref_slice %arg3[%dma_wait3A_356, %dma_wait3A_357] : memref<151936x1024xf32, #tpu.memory_space<hbm>> -> memref<151936x1024xf32, #tpu.memory_space<hbm>>
      tpu.wait_indirect_dma semaphore(%arg18 : memref<!tpu.dma_semaphore, #tpu.memory_space<semaphore_mem>>) src(%dma_wait3A_358 : memref<151936x1024xf32, #tpu.memory_space<hbm>>) dst(%arg10 : memref<8x1024xf32, #tpu.memory_space<vmem>>)
      %mul3A_359 = arith.constant 8 : i32
      %mul3A_360 = arith.muli %add3A_353, %mul3A_359 : i32
      %add3A_361 = arith.addi %mul3A_32, %mul3A_360 : i32
      %dma_start3A_362 = arith.constant 0 : i32
      %dma_start3A_363 = tpu.memref_slice %arg4[%select_n3A, %add3A_361, %dma_start3A_362] : memref<4x4096x1024xf32, #tpu.memory_space<hbm>> -> memref<1x8x1024xf32, #tpu.memory_space<hbm>>
      %dma_start3A_364 = tpu.memref_squeeze %dma_start3A_363 : memref<1x8x1024xf32, #tpu.memory_space<hbm>> -> memref<8x1024xf32, #tpu.memory_space<hbm>>
      %dma_start3A_365 = arith.constant 0 : i32
      %dma_start3A_366 = tpu.memref_slice %arg4[%select_n3A, %add3A_361, %dma_start3A_365] : memref<4x4096x1024xf32, #tpu.memory_space<hbm>> -> memref<1x8x1024xf32, #tpu.memory_space<hbm>>
      %dma_start3A_367 = tpu.memref_squeeze %dma_start3A_366 : memref<1x8x1024xf32, #tpu.memory_space<hbm>> -> memref<8x1024xf32, #tpu.memory_space<hbm>>
      tpu.enqueue_dma source(%arg10 : memref<8x1024xf32, #tpu.memory_space<vmem>>) target(%dma_start3A_367 : memref<8x1024xf32, #tpu.memory_space<hbm>>) target_semaphore(%arg26 : memref<!tpu.dma_semaphore, #tpu.memory_space<semaphore_mem>>)
      %dma_wait3A_368 = arith.constant 0 : i32
      %dma_wait3A_369 = tpu.memref_slice %arg4[%select_n3A, %mul3A_32, %dma_wait3A_368] : memref<4x4096x1024xf32, #tpu.memory_space<hbm>> -> memref<1x8x1024xf32, #tpu.memory_space<hbm>>
      %dma_wait3A_370 = tpu.memref_squeeze %dma_wait3A_369 : memref<1x8x1024xf32, #tpu.memory_space<hbm>> -> memref<8x1024xf32, #tpu.memory_space<hbm>>
      %dma_wait3A_371 = arith.constant 0 : i32
      %dma_wait3A_372 = tpu.memref_slice %arg4[%select_n3A, %mul3A_32, %dma_wait3A_371] : memref<4x4096x1024xf32, #tpu.memory_space<hbm>> -> memref<1x8x1024xf32, #tpu.memory_space<hbm>>
      %dma_wait3A_373 = tpu.memref_squeeze %dma_wait3A_372 : memref<1x8x1024xf32, #tpu.memory_space<hbm>> -> memref<8x1024xf32, #tpu.memory_space<hbm>>
      tpu.wait_dma2 semaphore(%arg26 : memref<!tpu.dma_semaphore, #tpu.memory_space<semaphore_mem>>) src(%arg10 : memref<8x1024xf32, #tpu.memory_space<vmem>>) dst(%dma_wait3A_373 : memref<8x1024xf32, #tpu.memory_space<hbm>>)
      %add3A_374 = arith.constant 8 : i32
      %add3A_375 = arith.addi %add3A_353, %add3A_374 : i32
      %mul3A_376 = arith.constant 8 : i32
      %mul3A_377 = arith.muli %add3A_375, %mul3A_376 : i32
      %dma_start3A_378 = tpu.memref_slice %arg5[%mul3A_377] : memref<512xi32, #tpu.memory_space<vmem>> -> memref<8xi32, #tpu.memory_space<vmem>>
      %dma_start3A_379 = arith.constant 0 : i32
      %dma_start3A_380 = arith.constant 0 : i32
      %dma_start3A_381 = tpu.memref_slice %arg3[%dma_start3A_379, %dma_start3A_380] : memref<151936x1024xf32, #tpu.memory_space<hbm>> -> memref<151936x1024xf32, #tpu.memory_space<hbm>>
      tpu.enqueue_indirect_dma source(%dma_start3A_381 : memref<151936x1024xf32, #tpu.memory_space<hbm>>) target(%arg10 : memref<8x1024xf32, #tpu.memory_space<vmem>>) offsets(%dma_start3A_378 : memref<8xi32, #tpu.memory_space<vmem>>) semaphore(%arg18 : memref<!tpu.dma_semaphore, #tpu.memory_space<semaphore_mem>>)
      %add3A_382 = arith.constant 5 : i32
      %add3A_383 = arith.addi %add3A_231, %add3A_382 : i32
      %dma_wait3A_384 = arith.constant 0 : i32
      %dma_wait3A_385 = tpu.memref_slice %arg5[%dma_wait3A_384] : memref<512xi32, #tpu.memory_space<vmem>> -> memref<8xi32, #tpu.memory_space<vmem>>
      %dma_wait3A_386 = arith.constant 0 : i32
      %dma_wait3A_387 = arith.constant 0 : i32
      %dma_wait3A_388 = tpu.memref_slice %arg3[%dma_wait3A_386, %dma_wait3A_387] : memref<151936x1024xf32, #tpu.memory_space<hbm>> -> memref<151936x1024xf32, #tpu.memory_space<hbm>>
      tpu.wait_indirect_dma semaphore(%arg19 : memref<!tpu.dma_semaphore, #tpu.memory_space<semaphore_mem>>) src(%dma_wait3A_388 : memref<151936x1024xf32, #tpu.memory_space<hbm>>) dst(%arg11 : memref<8x1024xf32, #tpu.memory_space<vmem>>)
      %mul3A_389 = arith.constant 8 : i32
      %mul3A_390 = arith.muli %add3A_383, %mul3A_389 : i32
      %add3A_391 = arith.addi %mul3A_32, %mul3A_390 : i32
      %dma_start3A_392 = arith.constant 0 : i32
      %dma_start3A_393 = tpu.memref_slice %arg4[%select_n3A, %add3A_391, %dma_start3A_392] : memref<4x4096x1024xf32, #tpu.memory_space<hbm>> -> memref<1x8x1024xf32, #tpu.memory_space<hbm>>
      %dma_start3A_394 = tpu.memref_squeeze %dma_start3A_393 : memref<1x8x1024xf32, #tpu.memory_space<hbm>> -> memref<8x1024xf32, #tpu.memory_space<hbm>>
      %dma_start3A_395 = arith.constant 0 : i32
      %dma_start3A_396 = tpu.memref_slice %arg4[%select_n3A, %add3A_391, %dma_start3A_395] : memref<4x4096x1024xf32, #tpu.memory_space<hbm>> -> memref<1x8x1024xf32, #tpu.memory_space<hbm>>
      %dma_start3A_397 = tpu.memref_squeeze %dma_start3A_396 : memref<1x8x1024xf32, #tpu.memory_space<hbm>> -> memref<8x1024xf32, #tpu.memory_space<hbm>>
      tpu.enqueue_dma source(%arg11 : memref<8x1024xf32, #tpu.memory_space<vmem>>) target(%dma_start3A_397 : memref<8x1024xf32, #tpu.memory_space<hbm>>) target_semaphore(%arg27 : memref<!tpu.dma_semaphore, #tpu.memory_space<semaphore_mem>>)
      %dma_wait3A_398 = arith.constant 0 : i32
      %dma_wait3A_399 = tpu.memref_slice %arg4[%select_n3A, %mul3A_32, %dma_wait3A_398] : memref<4x4096x1024xf32, #tpu.memory_space<hbm>> -> memref<1x8x1024xf32, #tpu.memory_space<hbm>>
      %dma_wait3A_400 = tpu.memref_squeeze %dma_wait3A_399 : memref<1x8x1024xf32, #tpu.memory_space<hbm>> -> memref<8x1024xf32, #tpu.memory_space<hbm>>
      %dma_wait3A_401 = arith.constant 0 : i32
      %dma_wait3A_402 = tpu.memref_slice %arg4[%select_n3A, %mul3A_32, %dma_wait3A_401] : memref<4x4096x1024xf32, #tpu.memory_space<hbm>> -> memref<1x8x1024xf32, #tpu.memory_space<hbm>>
      %dma_wait3A_403 = tpu.memref_squeeze %dma_wait3A_402 : memref<1x8x1024xf32, #tpu.memory_space<hbm>> -> memref<8x1024xf32, #tpu.memory_space<hbm>>
      tpu.wait_dma2 semaphore(%arg27 : memref<!tpu.dma_semaphore, #tpu.memory_space<semaphore_mem>>) src(%arg11 : memref<8x1024xf32, #tpu.memory_space<vmem>>) dst(%dma_wait3A_403 : memref<8x1024xf32, #tpu.memory_space<hbm>>)
      %add3A_404 = arith.constant 8 : i32
      %add3A_405 = arith.addi %add3A_383, %add3A_404 : i32
      %mul3A_406 = arith.constant 8 : i32
      %mul3A_407 = arith.muli %add3A_405, %mul3A_406 : i32
      %dma_start3A_408 = tpu.memref_slice %arg5[%mul3A_407] : memref<512xi32, #tpu.memory_space<vmem>> -> memref<8xi32, #tpu.memory_space<vmem>>
      %dma_start3A_409 = arith.constant 0 : i32
      %dma_start3A_410 = arith.constant 0 : i32
      %dma_start3A_411 = tpu.memref_slice %arg3[%dma_start3A_409, %dma_start3A_410] : memref<151936x1024xf32, #tpu.memory_space<hbm>> -> memref<151936x1024xf32, #tpu.memory_space<hbm>>
      tpu.enqueue_indirect_dma source(%dma_start3A_411 : memref<151936x1024xf32, #tpu.memory_space<hbm>>) target(%arg11 : memref<8x1024xf32, #tpu.memory_space<vmem>>) offsets(%dma_start3A_408 : memref<8xi32, #tpu.memory_space<vmem>>) semaphore(%arg19 : memref<!tpu.dma_semaphore, #tpu.memory_space<semaphore_mem>>)
      %add3A_412 = arith.constant 6 : i32
      %add3A_413 = arith.addi %add3A_231, %add3A_412 : i32
      %dma_wait3A_414 = arith.constant 0 : i32
      %dma_wait3A_415 = tpu.memref_slice %arg5[%dma_wait3A_414] : memref<512xi32, #tpu.memory_space<vmem>> -> memref<8xi32, #tpu.memory_space<vmem>>
      %dma_wait3A_416 = arith.constant 0 : i32
      %dma_wait3A_417 = arith.constant 0 : i32
      %dma_wait3A_418 = tpu.memref_slice %arg3[%dma_wait3A_416, %dma_wait3A_417] : memref<151936x1024xf32, #tpu.memory_space<hbm>> -> memref<151936x1024xf32, #tpu.memory_space<hbm>>
      tpu.wait_indirect_dma semaphore(%arg20 : memref<!tpu.dma_semaphore, #tpu.memory_space<semaphore_mem>>) src(%dma_wait3A_418 : memref<151936x1024xf32, #tpu.memory_space<hbm>>) dst(%arg12 : memref<8x1024xf32, #tpu.memory_space<vmem>>)
      %mul3A_419 = arith.constant 8 : i32
      %mul3A_420 = arith.muli %add3A_413, %mul3A_419 : i32
      %add3A_421 = arith.addi %mul3A_32, %mul3A_420 : i32
      %dma_start3A_422 = arith.constant 0 : i32
      %dma_start3A_423 = tpu.memref_slice %arg4[%select_n3A, %add3A_421, %dma_start3A_422] : memref<4x4096x1024xf32, #tpu.memory_space<hbm>> -> memref<1x8x1024xf32, #tpu.memory_space<hbm>>
      %dma_start3A_424 = tpu.memref_squeeze %dma_start3A_423 : memref<1x8x1024xf32, #tpu.memory_space<hbm>> -> memref<8x1024xf32, #tpu.memory_space<hbm>>
      %dma_start3A_425 = arith.constant 0 : i32
      %dma_start3A_426 = tpu.memref_slice %arg4[%select_n3A, %add3A_421, %dma_start3A_425] : memref<4x4096x1024xf32, #tpu.memory_space<hbm>> -> memref<1x8x1024xf32, #tpu.memory_space<hbm>>
      %dma_start3A_427 = tpu.memref_squeeze %dma_start3A_426 : memref<1x8x1024xf32, #tpu.memory_space<hbm>> -> memref<8x1024xf32, #tpu.memory_space<hbm>>
      tpu.enqueue_dma source(%arg12 : memref<8x1024xf32, #tpu.memory_space<vmem>>) target(%dma_start3A_427 : memref<8x1024xf32, #tpu.memory_space<hbm>>) target_semaphore(%arg28 : memref<!tpu.dma_semaphore, #tpu.memory_space<semaphore_mem>>)
      %dma_wait3A_428 = arith.constant 0 : i32
      %dma_wait3A_429 = tpu.memref_slice %arg4[%select_n3A, %mul3A_32, %dma_wait3A_428] : memref<4x4096x1024xf32, #tpu.memory_space<hbm>> -> memref<1x8x1024xf32, #tpu.memory_space<hbm>>
      %dma_wait3A_430 = tpu.memref_squeeze %dma_wait3A_429 : memref<1x8x1024xf32, #tpu.memory_space<hbm>> -> memref<8x1024xf32, #tpu.memory_space<hbm>>
      %dma_wait3A_431 = arith.constant 0 : i32
      %dma_wait3A_432 = tpu.memref_slice %arg4[%select_n3A, %mul3A_32, %dma_wait3A_431] : memref<4x4096x1024xf32, #tpu.memory_space<hbm>> -> memref<1x8x1024xf32, #tpu.memory_space<hbm>>
      %dma_wait3A_433 = tpu.memref_squeeze %dma_wait3A_432 : memref<1x8x1024xf32, #tpu.memory_space<hbm>> -> memref<8x1024xf32, #tpu.memory_space<hbm>>
      tpu.wait_dma2 semaphore(%arg28 : memref<!tpu.dma_semaphore, #tpu.memory_space<semaphore_mem>>) src(%arg12 : memref<8x1024xf32, #tpu.memory_space<vmem>>) dst(%dma_wait3A_433 : memref<8x1024xf32, #tpu.memory_space<hbm>>)
      %add3A_434 = arith.constant 8 : i32
      %add3A_435 = arith.addi %add3A_413, %add3A_434 : i32
      %mul3A_436 = arith.constant 8 : i32
      %mul3A_437 = arith.muli %add3A_435, %mul3A_436 : i32
      %dma_start3A_438 = tpu.memref_slice %arg5[%mul3A_437] : memref<512xi32, #tpu.memory_space<vmem>> -> memref<8xi32, #tpu.memory_space<vmem>>
      %dma_start3A_439 = arith.constant 0 : i32
      %dma_start3A_440 = arith.constant 0 : i32
      %dma_start3A_441 = tpu.memref_slice %arg3[%dma_start3A_439, %dma_start3A_440] : memref<151936x1024xf32, #tpu.memory_space<hbm>> -> memref<151936x1024xf32, #tpu.memory_space<hbm>>
      tpu.enqueue_indirect_dma source(%dma_start3A_441 : memref<151936x1024xf32, #tpu.memory_space<hbm>>) target(%arg12 : memref<8x1024xf32, #tpu.memory_space<vmem>>) offsets(%dma_start3A_438 : memref<8xi32, #tpu.memory_space<vmem>>) semaphore(%arg20 : memref<!tpu.dma_semaphore, #tpu.memory_space<semaphore_mem>>)
      %add3A_442 = arith.constant 7 : i32
      %add3A_443 = arith.addi %add3A_231, %add3A_442 : i32
      %dma_wait3A_444 = arith.constant 0 : i32
      %dma_wait3A_445 = tpu.memref_slice %arg5[%dma_wait3A_444] : memref<512xi32, #tpu.memory_space<vmem>> -> memref<8xi32, #tpu.memory_space<vmem>>
      %dma_wait3A_446 = arith.constant 0 : i32
      %dma_wait3A_447 = arith.constant 0 : i32
      %dma_wait3A_448 = tpu.memref_slice %arg3[%dma_wait3A_446, %dma_wait3A_447] : memref<151936x1024xf32, #tpu.memory_space<hbm>> -> memref<151936x1024xf32, #tpu.memory_space<hbm>>
      tpu.wait_indirect_dma semaphore(%arg21 : memref<!tpu.dma_semaphore, #tpu.memory_space<semaphore_mem>>) src(%dma_wait3A_448 : memref<151936x1024xf32, #tpu.memory_space<hbm>>) dst(%arg13 : memref<8x1024xf32, #tpu.memory_space<vmem>>)
      %mul3A_449 = arith.constant 8 : i32
      %mul3A_450 = arith.muli %add3A_443, %mul3A_449 : i32
      %add3A_451 = arith.addi %mul3A_32, %mul3A_450 : i32
      %dma_start3A_452 = arith.constant 0 : i32
      %dma_start3A_453 = tpu.memref_slice %arg4[%select_n3A, %add3A_451, %dma_start3A_452] : memref<4x4096x1024xf32, #tpu.memory_space<hbm>> -> memref<1x8x1024xf32, #tpu.memory_space<hbm>>
      %dma_start3A_454 = tpu.memref_squeeze %dma_start3A_453 : memref<1x8x1024xf32, #tpu.memory_space<hbm>> -> memref<8x1024xf32, #tpu.memory_space<hbm>>
      %dma_start3A_455 = arith.constant 0 : i32
      %dma_start3A_456 = tpu.memref_slice %arg4[%select_n3A, %add3A_451, %dma_start3A_455] : memref<4x4096x1024xf32, #tpu.memory_space<hbm>> -> memref<1x8x1024xf32, #tpu.memory_space<hbm>>
      %dma_start3A_457 = tpu.memref_squeeze %dma_start3A_456 : memref<1x8x1024xf32, #tpu.memory_space<hbm>> -> memref<8x1024xf32, #tpu.memory_space<hbm>>
      tpu.enqueue_dma source(%arg13 : memref<8x1024xf32, #tpu.memory_space<vmem>>) target(%dma_start3A_457 : memref<8x1024xf32, #tpu.memory_space<hbm>>) target_semaphore(%arg29 : memref<!tpu.dma_semaphore, #tpu.memory_space<semaphore_mem>>)
      %dma_wait3A_458 = arith.constant 0 : i32
      %dma_wait3A_459 = tpu.memref_slice %arg4[%select_n3A, %mul3A_32, %dma_wait3A_458] : memref<4x4096x1024xf32, #tpu.memory_space<hbm>> -> memref<1x8x1024xf32, #tpu.memory_space<hbm>>
      %dma_wait3A_460 = tpu.memref_squeeze %dma_wait3A_459 : memref<1x8x1024xf32, #tpu.memory_space<hbm>> -> memref<8x1024xf32, #tpu.memory_space<hbm>>
      %dma_wait3A_461 = arith.constant 0 : i32
      %dma_wait3A_462 = tpu.memref_slice %arg4[%select_n3A, %mul3A_32, %dma_wait3A_461] : memref<4x4096x1024xf32, #tpu.memory_space<hbm>> -> memref<1x8x1024xf32, #tpu.memory_space<hbm>>
      %dma_wait3A_463 = tpu.memref_squeeze %dma_wait3A_462 : memref<1x8x1024xf32, #tpu.memory_space<hbm>> -> memref<8x1024xf32, #tpu.memory_space<hbm>>
      tpu.wait_dma2 semaphore(%arg29 : memref<!tpu.dma_semaphore, #tpu.memory_space<semaphore_mem>>) src(%arg13 : memref<8x1024xf32, #tpu.memory_space<vmem>>) dst(%dma_wait3A_463 : memref<8x1024xf32, #tpu.memory_space<hbm>>)
      %add3A_464 = arith.constant 8 : i32
      %add3A_465 = arith.addi %add3A_443, %add3A_464 : i32
      %mul3A_466 = arith.constant 8 : i32
      %mul3A_467 = arith.muli %add3A_465, %mul3A_466 : i32
      %dma_start3A_468 = tpu.memref_slice %arg5[%mul3A_467] : memref<512xi32, #tpu.memory_space<vmem>> -> memref<8xi32, #tpu.memory_space<vmem>>
      %dma_start3A_469 = arith.constant 0 : i32
      %dma_start3A_470 = arith.constant 0 : i32
      %dma_start3A_471 = tpu.memref_slice %arg3[%dma_start3A_469, %dma_start3A_470] : memref<151936x1024xf32, #tpu.memory_space<hbm>> -> memref<151936x1024xf32, #tpu.memory_space<hbm>>
      tpu.enqueue_indirect_dma source(%dma_start3A_471 : memref<151936x1024xf32, #tpu.memory_space<hbm>>) target(%arg13 : memref<8x1024xf32, #tpu.memory_space<vmem>>) offsets(%dma_start3A_468 : memref<8xi32, #tpu.memory_space<vmem>>) semaphore(%arg21 : memref<!tpu.dma_semaphore, #tpu.memory_space<semaphore_mem>>)
    }
    %scan3A_75 = arith.constant 7 : i32
    %dma_wait3A = arith.constant 0 : i32
    %dma_wait3A_76 = tpu.memref_slice %arg5[%dma_wait3A] : memref<512xi32, #tpu.memory_space<vmem>> -> memref<8xi32, #tpu.memory_space<vmem>>
    %dma_wait3A_77 = arith.constant 0 : i32
    %dma_wait3A_78 = arith.constant 0 : i32
    %dma_wait3A_79 = tpu.memref_slice %arg3[%dma_wait3A_77, %dma_wait3A_78] : memref<151936x1024xf32, #tpu.memory_space<hbm>> -> memref<151936x1024xf32, #tpu.memory_space<hbm>>
    tpu.wait_indirect_dma semaphore(%arg14 : memref<!tpu.dma_semaphore, #tpu.memory_space<semaphore_mem>>) src(%dma_wait3A_79 : memref<151936x1024xf32, #tpu.memory_space<hbm>>) dst(%arg6 : memref<8x1024xf32, #tpu.memory_space<vmem>>)
    %add3A_80 = arith.constant 448 : i32
    %add3A_81 = arith.addi %mul3A_32, %add3A_80 : i32
    %dma_start3A_82 = arith.constant 0 : i32
    %dma_start3A_83 = tpu.memref_slice %arg4[%select_n3A, %add3A_81, %dma_start3A_82] : memref<4x4096x1024xf32, #tpu.memory_space<hbm>> -> memref<1x8x1024xf32, #tpu.memory_space<hbm>>
    %dma_start3A_84 = tpu.memref_squeeze %dma_start3A_83 : memref<1x8x1024xf32, #tpu.memory_space<hbm>> -> memref<8x1024xf32, #tpu.memory_space<hbm>>
    %dma_start3A_85 = arith.constant 0 : i32
    %dma_start3A_86 = tpu.memref_slice %arg4[%select_n3A, %add3A_81, %dma_start3A_85] : memref<4x4096x1024xf32, #tpu.memory_space<hbm>> -> memref<1x8x1024xf32, #tpu.memory_space<hbm>>
    %dma_start3A_87 = tpu.memref_squeeze %dma_start3A_86 : memref<1x8x1024xf32, #tpu.memory_space<hbm>> -> memref<8x1024xf32, #tpu.memory_space<hbm>>
    tpu.enqueue_dma source(%arg6 : memref<8x1024xf32, #tpu.memory_space<vmem>>) target(%dma_start3A_87 : memref<8x1024xf32, #tpu.memory_space<hbm>>) target_semaphore(%arg22 : memref<!tpu.dma_semaphore, #tpu.memory_space<semaphore_mem>>)
    %dma_wait3A_88 = arith.constant 0 : i32
    %dma_wait3A_89 = tpu.memref_slice %arg5[%dma_wait3A_88] : memref<512xi32, #tpu.memory_space<vmem>> -> memref<8xi32, #tpu.memory_space<vmem>>
    %dma_wait3A_90 = arith.constant 0 : i32
    %dma_wait3A_91 = arith.constant 0 : i32
    %dma_wait3A_92 = tpu.memref_slice %arg3[%dma_wait3A_90, %dma_wait3A_91] : memref<151936x1024xf32, #tpu.memory_space<hbm>> -> memref<151936x1024xf32, #tpu.memory_space<hbm>>
    tpu.wait_indirect_dma semaphore(%arg15 : memref<!tpu.dma_semaphore, #tpu.memory_space<semaphore_mem>>) src(%dma_wait3A_92 : memref<151936x1024xf32, #tpu.memory_space<hbm>>) dst(%arg7 : memref<8x1024xf32, #tpu.memory_space<vmem>>)
    %add3A_93 = arith.constant 456 : i32
    %add3A_94 = arith.addi %mul3A_32, %add3A_93 : i32
    %dma_start3A_95 = arith.constant 0 : i32
    %dma_start3A_96 = tpu.memref_slice %arg4[%select_n3A, %add3A_94, %dma_start3A_95] : memref<4x4096x1024xf32, #tpu.memory_space<hbm>> -> memref<1x8x1024xf32, #tpu.memory_space<hbm>>
    %dma_start3A_97 = tpu.memref_squeeze %dma_start3A_96 : memref<1x8x1024xf32, #tpu.memory_space<hbm>> -> memref<8x1024xf32, #tpu.memory_space<hbm>>
    %dma_start3A_98 = arith.constant 0 : i32
    %dma_start3A_99 = tpu.memref_slice %arg4[%select_n3A, %add3A_94, %dma_start3A_98] : memref<4x4096x1024xf32, #tpu.memory_space<hbm>> -> memref<1x8x1024xf32, #tpu.memory_space<hbm>>
    %dma_start3A_100 = tpu.memref_squeeze %dma_start3A_99 : memref<1x8x1024xf32, #tpu.memory_space<hbm>> -> memref<8x1024xf32, #tpu.memory_space<hbm>>
    tpu.enqueue_dma source(%arg7 : memref<8x1024xf32, #tpu.memory_space<vmem>>) target(%dma_start3A_100 : memref<8x1024xf32, #tpu.memory_space<hbm>>) target_semaphore(%arg23 : memref<!tpu.dma_semaphore, #tpu.memory_space<semaphore_mem>>)
    %dma_wait3A_101 = arith.constant 0 : i32
    %dma_wait3A_102 = tpu.memref_slice %arg5[%dma_wait3A_101] : memref<512xi32, #tpu.memory_space<vmem>> -> memref<8xi32, #tpu.memory_space<vmem>>
    %dma_wait3A_103 = arith.constant 0 : i32
    %dma_wait3A_104 = arith.constant 0 : i32
    %dma_wait3A_105 = tpu.memref_slice %arg3[%dma_wait3A_103, %dma_wait3A_104] : memref<151936x1024xf32, #tpu.memory_space<hbm>> -> memref<151936x1024xf32, #tpu.memory_space<hbm>>
    tpu.wait_indirect_dma semaphore(%arg16 : memref<!tpu.dma_semaphore, #tpu.memory_space<semaphore_mem>>) src(%dma_wait3A_105 : memref<151936x1024xf32, #tpu.memory_space<hbm>>) dst(%arg8 : memref<8x1024xf32, #tpu.memory_space<vmem>>)
    %add3A_106 = arith.constant 464 : i32
    %add3A_107 = arith.addi %mul3A_32, %add3A_106 : i32
    %dma_start3A_108 = arith.constant 0 : i32
    %dma_start3A_109 = tpu.memref_slice %arg4[%select_n3A, %add3A_107, %dma_start3A_108] : memref<4x4096x1024xf32, #tpu.memory_space<hbm>> -> memref<1x8x1024xf32, #tpu.memory_space<hbm>>
    %dma_start3A_110 = tpu.memref_squeeze %dma_start3A_109 : memref<1x8x1024xf32, #tpu.memory_space<hbm>> -> memref<8x1024xf32, #tpu.memory_space<hbm>>
    %dma_start3A_111 = arith.constant 0 : i32
    %dma_start3A_112 = tpu.memref_slice %arg4[%select_n3A, %add3A_107, %dma_start3A_111] : memref<4x4096x1024xf32, #tpu.memory_space<hbm>> -> memref<1x8x1024xf32, #tpu.memory_space<hbm>>
    %dma_start3A_113 = tpu.memref_squeeze %dma_start3A_112 : memref<1x8x1024xf32, #tpu.memory_space<hbm>> -> memref<8x1024xf32, #tpu.memory_space<hbm>>
    tpu.enqueue_dma source(%arg8 : memref<8x1024xf32, #tpu.memory_space<vmem>>) target(%dma_start3A_113 : memref<8x1024xf32, #tpu.memory_space<hbm>>) target_semaphore(%arg24 : memref<!tpu.dma_semaphore, #tpu.memory_space<semaphore_mem>>)
    %dma_wait3A_114 = arith.constant 0 : i32
    %dma_wait3A_115 = tpu.memref_slice %arg5[%dma_wait3A_114] : memref<512xi32, #tpu.memory_space<vmem>> -> memref<8xi32, #tpu.memory_space<vmem>>
    %dma_wait3A_116 = arith.constant 0 : i32
    %dma_wait3A_117 = arith.constant 0 : i32
    %dma_wait3A_118 = tpu.memref_slice %arg3[%dma_wait3A_116, %dma_wait3A_117] : memref<151936x1024xf32, #tpu.memory_space<hbm>> -> memref<151936x1024xf32, #tpu.memory_space<hbm>>
    tpu.wait_indirect_dma semaphore(%arg17 : memref<!tpu.dma_semaphore, #tpu.memory_space<semaphore_mem>>) src(%dma_wait3A_118 : memref<151936x1024xf32, #tpu.memory_space<hbm>>) dst(%arg9 : memref<8x1024xf32, #tpu.memory_space<vmem>>)
    %add3A_119 = arith.constant 472 : i32
    %add3A_120 = arith.addi %mul3A_32, %add3A_119 : i32
    %dma_start3A_121 = arith.constant 0 : i32
    %dma_start3A_122 = tpu.memref_slice %arg4[%select_n3A, %add3A_120, %dma_start3A_121] : memref<4x4096x1024xf32, #tpu.memory_space<hbm>> -> memref<1x8x1024xf32, #tpu.memory_space<hbm>>
    %dma_start3A_123 = tpu.memref_squeeze %dma_start3A_122 : memref<1x8x1024xf32, #tpu.memory_space<hbm>> -> memref<8x1024xf32, #tpu.memory_space<hbm>>
    %dma_start3A_124 = arith.constant 0 : i32
    %dma_start3A_125 = tpu.memref_slice %arg4[%select_n3A, %add3A_120, %dma_start3A_124] : memref<4x4096x1024xf32, #tpu.memory_space<hbm>> -> memref<1x8x1024xf32, #tpu.memory_space<hbm>>
    %dma_start3A_126 = tpu.memref_squeeze %dma_start3A_125 : memref<1x8x1024xf32, #tpu.memory_space<hbm>> -> memref<8x1024xf32, #tpu.memory_space<hbm>>
    tpu.enqueue_dma source(%arg9 : memref<8x1024xf32, #tpu.memory_space<vmem>>) target(%dma_start3A_126 : memref<8x1024xf32, #tpu.memory_space<hbm>>) target_semaphore(%arg25 : memref<!tpu.dma_semaphore, #tpu.memory_space<semaphore_mem>>)
    %dma_wait3A_127 = arith.constant 0 : i32
    %dma_wait3A_128 = tpu.memref_slice %arg5[%dma_wait3A_127] : memref<512xi32, #tpu.memory_space<vmem>> -> memref<8xi32, #tpu.memory_space<vmem>>
    %dma_wait3A_129 = arith.constant 0 : i32
    %dma_wait3A_130 = arith.constant 0 : i32
    %dma_wait3A_131 = tpu.memref_slice %arg3[%dma_wait3A_129, %dma_wait3A_130] : memref<151936x1024xf32, #tpu.memory_space<hbm>> -> memref<151936x1024xf32, #tpu.memory_space<hbm>>
    tpu.wait_indirect_dma semaphore(%arg18 : memref<!tpu.dma_semaphore, #tpu.memory_space<semaphore_mem>>) src(%dma_wait3A_131 : memref<151936x1024xf32, #tpu.memory_space<hbm>>) dst(%arg10 : memref<8x1024xf32, #tpu.memory_space<vmem>>)
    %add3A_132 = arith.constant 480 : i32
    %add3A_133 = arith.addi %mul3A_32, %add3A_132 : i32
    %dma_start3A_134 = arith.constant 0 : i32
    %dma_start3A_135 = tpu.memref_slice %arg4[%select_n3A, %add3A_133, %dma_start3A_134] : memref<4x4096x1024xf32, #tpu.memory_space<hbm>> -> memref<1x8x1024xf32, #tpu.memory_space<hbm>>
    %dma_start3A_136 = tpu.memref_squeeze %dma_start3A_135 : memref<1x8x1024xf32, #tpu.memory_space<hbm>> -> memref<8x1024xf32, #tpu.memory_space<hbm>>
    %dma_start3A_137 = arith.constant 0 : i32
    %dma_start3A_138 = tpu.memref_slice %arg4[%select_n3A, %add3A_133, %dma_start3A_137] : memref<4x4096x1024xf32, #tpu.memory_space<hbm>> -> memref<1x8x1024xf32, #tpu.memory_space<hbm>>
    %dma_start3A_139 = tpu.memref_squeeze %dma_start3A_138 : memref<1x8x1024xf32, #tpu.memory_space<hbm>> -> memref<8x1024xf32, #tpu.memory_space<hbm>>
    tpu.enqueue_dma source(%arg10 : memref<8x1024xf32, #tpu.memory_space<vmem>>) target(%dma_start3A_139 : memref<8x1024xf32, #tpu.memory_space<hbm>>) target_semaphore(%arg26 : memref<!tpu.dma_semaphore, #tpu.memory_space<semaphore_mem>>)
    %dma_wait3A_140 = arith.constant 0 : i32
    %dma_wait3A_141 = tpu.memref_slice %arg5[%dma_wait3A_140] : memref<512xi32, #tpu.memory_space<vmem>> -> memref<8xi32, #tpu.memory_space<vmem>>
    %dma_wait3A_142 = arith.constant 0 : i32
    %dma_wait3A_143 = arith.constant 0 : i32
    %dma_wait3A_144 = tpu.memref_slice %arg3[%dma_wait3A_142, %dma_wait3A_143] : memref<151936x1024xf32, #tpu.memory_space<hbm>> -> memref<151936x1024xf32, #tpu.memory_space<hbm>>
    tpu.wait_indirect_dma semaphore(%arg19 : memref<!tpu.dma_semaphore, #tpu.memory_space<semaphore_mem>>) src(%dma_wait3A_144 : memref<151936x1024xf32, #tpu.memory_space<hbm>>) dst(%arg11 : memref<8x1024xf32, #tpu.memory_space<vmem>>)
    %add3A_145 = arith.constant 488 : i32
    %add3A_146 = arith.addi %mul3A_32, %add3A_145 : i32
    %dma_start3A_147 = arith.constant 0 : i32
    %dma_start3A_148 = tpu.memref_slice %arg4[%select_n3A, %add3A_146, %dma_start3A_147] : memref<4x4096x1024xf32, #tpu.memory_space<hbm>> -> memref<1x8x1024xf32, #tpu.memory_space<hbm>>
    %dma_start3A_149 = tpu.memref_squeeze %dma_start3A_148 : memref<1x8x1024xf32, #tpu.memory_space<hbm>> -> memref<8x1024xf32, #tpu.memory_space<hbm>>
    %dma_start3A_150 = arith.constant 0 : i32
    %dma_start3A_151 = tpu.memref_slice %arg4[%select_n3A, %add3A_146, %dma_start3A_150] : memref<4x4096x1024xf32, #tpu.memory_space<hbm>> -> memref<1x8x1024xf32, #tpu.memory_space<hbm>>
    %dma_start3A_152 = tpu.memref_squeeze %dma_start3A_151 : memref<1x8x1024xf32, #tpu.memory_space<hbm>> -> memref<8x1024xf32, #tpu.memory_space<hbm>>
    tpu.enqueue_dma source(%arg11 : memref<8x1024xf32, #tpu.memory_space<vmem>>) target(%dma_start3A_152 : memref<8x1024xf32, #tpu.memory_space<hbm>>) target_semaphore(%arg27 : memref<!tpu.dma_semaphore, #tpu.memory_space<semaphore_mem>>)
    %dma_wait3A_153 = arith.constant 0 : i32
    %dma_wait3A_154 = tpu.memref_slice %arg5[%dma_wait3A_153] : memref<512xi32, #tpu.memory_space<vmem>> -> memref<8xi32, #tpu.memory_space<vmem>>
    %dma_wait3A_155 = arith.constant 0 : i32
    %dma_wait3A_156 = arith.constant 0 : i32
    %dma_wait3A_157 = tpu.memref_slice %arg3[%dma_wait3A_155, %dma_wait3A_156] : memref<151936x1024xf32, #tpu.memory_space<hbm>> -> memref<151936x1024xf32, #tpu.memory_space<hbm>>
    tpu.wait_indirect_dma semaphore(%arg20 : memref<!tpu.dma_semaphore, #tpu.memory_space<semaphore_mem>>) src(%dma_wait3A_157 : memref<151936x1024xf32, #tpu.memory_space<hbm>>) dst(%arg12 : memref<8x1024xf32, #tpu.memory_space<vmem>>)
    %add3A_158 = arith.constant 496 : i32
    %add3A_159 = arith.addi %mul3A_32, %add3A_158 : i32
    %dma_start3A_160 = arith.constant 0 : i32
    %dma_start3A_161 = tpu.memref_slice %arg4[%select_n3A, %add3A_159, %dma_start3A_160] : memref<4x4096x1024xf32, #tpu.memory_space<hbm>> -> memref<1x8x1024xf32, #tpu.memory_space<hbm>>
    %dma_start3A_162 = tpu.memref_squeeze %dma_start3A_161 : memref<1x8x1024xf32, #tpu.memory_space<hbm>> -> memref<8x1024xf32, #tpu.memory_space<hbm>>
    %dma_start3A_163 = arith.constant 0 : i32
    %dma_start3A_164 = tpu.memref_slice %arg4[%select_n3A, %add3A_159, %dma_start3A_163] : memref<4x4096x1024xf32, #tpu.memory_space<hbm>> -> memref<1x8x1024xf32, #tpu.memory_space<hbm>>
    %dma_start3A_165 = tpu.memref_squeeze %dma_start3A_164 : memref<1x8x1024xf32, #tpu.memory_space<hbm>> -> memref<8x1024xf32, #tpu.memory_space<hbm>>
    tpu.enqueue_dma source(%arg12 : memref<8x1024xf32, #tpu.memory_space<vmem>>) target(%dma_start3A_165 : memref<8x1024xf32, #tpu.memory_space<hbm>>) target_semaphore(%arg28 : memref<!tpu.dma_semaphore, #tpu.memory_space<semaphore_mem>>)
    %dma_wait3A_166 = arith.constant 0 : i32
    %dma_wait3A_167 = tpu.memref_slice %arg5[%dma_wait3A_166] : memref<512xi32, #tpu.memory_space<vmem>> -> memref<8xi32, #tpu.memory_space<vmem>>
    %dma_wait3A_168 = arith.constant 0 : i32
    %dma_wait3A_169 = arith.constant 0 : i32
    %dma_wait3A_170 = tpu.memref_slice %arg3[%dma_wait3A_168, %dma_wait3A_169] : memref<151936x1024xf32, #tpu.memory_space<hbm>> -> memref<151936x1024xf32, #tpu.memory_space<hbm>>
    tpu.wait_indirect_dma semaphore(%arg21 : memref<!tpu.dma_semaphore, #tpu.memory_space<semaphore_mem>>) src(%dma_wait3A_170 : memref<151936x1024xf32, #tpu.memory_space<hbm>>) dst(%arg13 : memref<8x1024xf32, #tpu.memory_space<vmem>>)
    %add3A_171 = arith.constant 504 : i32
    %add3A_172 = arith.addi %mul3A_32, %add3A_171 : i32
    %dma_start3A_173 = arith.constant 0 : i32
    %dma_start3A_174 = tpu.memref_slice %arg4[%select_n3A, %add3A_172, %dma_start3A_173] : memref<4x4096x1024xf32, #tpu.memory_space<hbm>> -> memref<1x8x1024xf32, #tpu.memory_space<hbm>>
    %dma_start3A_175 = tpu.memref_squeeze %dma_start3A_174 : memref<1x8x1024xf32, #tpu.memory_space<hbm>> -> memref<8x1024xf32, #tpu.memory_space<hbm>>
    %dma_start3A_176 = arith.constant 0 : i32
    %dma_start3A_177 = tpu.memref_slice %arg4[%select_n3A, %add3A_172, %dma_start3A_176] : memref<4x4096x1024xf32, #tpu.memory_space<hbm>> -> memref<1x8x1024xf32, #tpu.memory_space<hbm>>
    %dma_start3A_178 = tpu.memref_squeeze %dma_start3A_177 : memref<1x8x1024xf32, #tpu.memory_space<hbm>> -> memref<8x1024xf32, #tpu.memory_space<hbm>>
    tpu.enqueue_dma source(%arg13 : memref<8x1024xf32, #tpu.memory_space<vmem>>) target(%dma_start3A_178 : memref<8x1024xf32, #tpu.memory_space<hbm>>) target_semaphore(%arg29 : memref<!tpu.dma_semaphore, #tpu.memory_space<semaphore_mem>>)
    %dma_wait3A_179 = arith.constant 0 : i32
    %dma_wait3A_180 = tpu.memref_slice %arg4[%select_n3A, %mul3A_32, %dma_wait3A_179] : memref<4x4096x1024xf32, #tpu.memory_space<hbm>> -> memref<1x8x1024xf32, #tpu.memory_space<hbm>>
    %dma_wait3A_181 = tpu.memref_squeeze %dma_wait3A_180 : memref<1x8x1024xf32, #tpu.memory_space<hbm>> -> memref<8x1024xf32, #tpu.memory_space<hbm>>
    %dma_wait3A_182 = arith.constant 0 : i32
    %dma_wait3A_183 = tpu.memref_slice %arg4[%select_n3A, %mul3A_32, %dma_wait3A_182] : memref<4x4096x1024xf32, #tpu.memory_space<hbm>> -> memref<1x8x1024xf32, #tpu.memory_space<hbm>>
    %dma_wait3A_184 = tpu.memref_squeeze %dma_wait3A_183 : memref<1x8x1024xf32, #tpu.memory_space<hbm>> -> memref<8x1024xf32, #tpu.memory_space<hbm>>
    tpu.wait_dma2 semaphore(%arg22 : memref<!tpu.dma_semaphore, #tpu.memory_space<semaphore_mem>>) src(%arg6 : memref<8x1024xf32, #tpu.memory_space<vmem>>) dst(%dma_wait3A_184 : memref<8x1024xf32, #tpu.memory_space<hbm>>)
    %dma_wait3A_185 = arith.constant 0 : i32
    %dma_wait3A_186 = tpu.memref_slice %arg4[%select_n3A, %mul3A_32, %dma_wait3A_185] : memref<4x4096x1024xf32, #tpu.memory_space<hbm>> -> memref<1x8x1024xf32, #tpu.memory_space<hbm>>
    %dma_wait3A_187 = tpu.memref_squeeze %dma_wait3A_186 : memref<1x8x1024xf32, #tpu.memory_space<hbm>> -> memref<8x1024xf32, #tpu.memory_space<hbm>>
    %dma_wait3A_188 = arith.constant 0 : i32
    %dma_wait3A_189 = tpu.memref_slice %arg4[%select_n3A, %mul3A_32, %dma_wait3A_188] : memref<4x4096x1024xf32, #tpu.memory_space<hbm>> -> memref<1x8x1024xf32, #tpu.memory_space<hbm>>
    %dma_wait3A_190 = tpu.memref_squeeze %dma_wait3A_189 : memref<1x8x1024xf32, #tpu.memory_space<hbm>> -> memref<8x1024xf32, #tpu.memory_space<hbm>>
    tpu.wait_dma2 semaphore(%arg23 : memref<!tpu.dma_semaphore, #tpu.memory_space<semaphore_mem>>) src(%arg7 : memref<8x1024xf32, #tpu.memory_space<vmem>>) dst(%dma_wait3A_190 : memref<8x1024xf32, #tpu.memory_space<hbm>>)
    %dma_wait3A_191 = arith.constant 0 : i32
    %dma_wait3A_192 = tpu.memref_slice %arg4[%select_n3A, %mul3A_32, %dma_wait3A_191] : memref<4x4096x1024xf32, #tpu.memory_space<hbm>> -> memref<1x8x1024xf32, #tpu.memory_space<hbm>>
    %dma_wait3A_193 = tpu.memref_squeeze %dma_wait3A_192 : memref<1x8x1024xf32, #tpu.memory_space<hbm>> -> memref<8x1024xf32, #tpu.memory_space<hbm>>
    %dma_wait3A_194 = arith.constant 0 : i32
    %dma_wait3A_195 = tpu.memref_slice %arg4[%select_n3A, %mul3A_32, %dma_wait3A_194] : memref<4x4096x1024xf32, #tpu.memory_space<hbm>> -> memref<1x8x1024xf32, #tpu.memory_space<hbm>>
    %dma_wait3A_196 = tpu.memref_squeeze %dma_wait3A_195 : memref<1x8x1024xf32, #tpu.memory_space<hbm>> -> memref<8x1024xf32, #tpu.memory_space<hbm>>
    tpu.wait_dma2 semaphore(%arg24 : memref<!tpu.dma_semaphore, #tpu.memory_space<semaphore_mem>>) src(%arg8 : memref<8x1024xf32, #tpu.memory_space<vmem>>) dst(%dma_wait3A_196 : memref<8x1024xf32, #tpu.memory_space<hbm>>)
    %dma_wait3A_197 = arith.constant 0 : i32
    %dma_wait3A_198 = tpu.memref_slice %arg4[%select_n3A, %mul3A_32, %dma_wait3A_197] : memref<4x4096x1024xf32, #tpu.memory_space<hbm>> -> memref<1x8x1024xf32, #tpu.memory_space<hbm>>
    %dma_wait3A_199 = tpu.memref_squeeze %dma_wait3A_198 : memref<1x8x1024xf32, #tpu.memory_space<hbm>> -> memref<8x1024xf32, #tpu.memory_space<hbm>>
    %dma_wait3A_200 = arith.constant 0 : i32
    %dma_wait3A_201 = tpu.memref_slice %arg4[%select_n3A, %mul3A_32, %dma_wait3A_200] : memref<4x4096x1024xf32, #tpu.memory_space<hbm>> -> memref<1x8x1024xf32, #tpu.memory_space<hbm>>
    %dma_wait3A_202 = tpu.memref_squeeze %dma_wait3A_201 : memref<1x8x1024xf32, #tpu.memory_space<hbm>> -> memref<8x1024xf32, #tpu.memory_space<hbm>>
    tpu.wait_dma2 semaphore(%arg25 : memref<!tpu.dma_semaphore, #tpu.memory_space<semaphore_mem>>) src(%arg9 : memref<8x1024xf32, #tpu.memory_space<vmem>>) dst(%dma_wait3A_202 : memref<8x1024xf32, #tpu.memory_space<hbm>>)
    %dma_wait3A_203 = arith.constant 0 : i32
    %dma_wait3A_204 = tpu.memref_slice %arg4[%select_n3A, %mul3A_32, %dma_wait3A_203] : memref<4x4096x1024xf32, #tpu.memory_space<hbm>> -> memref<1x8x1024xf32, #tpu.memory_space<hbm>>
    %dma_wait3A_205 = tpu.memref_squeeze %dma_wait3A_204 : memref<1x8x1024xf32, #tpu.memory_space<hbm>> -> memref<8x1024xf32, #tpu.memory_space<hbm>>
    %dma_wait3A_206 = arith.constant 0 : i32
    %dma_wait3A_207 = tpu.memref_slice %arg4[%select_n3A, %mul3A_32, %dma_wait3A_206] : memref<4x4096x1024xf32, #tpu.memory_space<hbm>> -> memref<1x8x1024xf32, #tpu.memory_space<hbm>>
    %dma_wait3A_208 = tpu.memref_squeeze %dma_wait3A_207 : memref<1x8x1024xf32, #tpu.memory_space<hbm>> -> memref<8x1024xf32, #tpu.memory_space<hbm>>
    tpu.wait_dma2 semaphore(%arg26 : memref<!tpu.dma_semaphore, #tpu.memory_space<semaphore_mem>>) src(%arg10 : memref<8x1024xf32, #tpu.memory_space<vmem>>) dst(%dma_wait3A_208 : memref<8x1024xf32, #tpu.memory_space<hbm>>)
    %dma_wait3A_209 = arith.constant 0 : i32
    %dma_wait3A_210 = tpu.memref_slice %arg4[%select_n3A, %mul3A_32, %dma_wait3A_209] : memref<4x4096x1024xf32, #tpu.memory_space<hbm>> -> memref<1x8x1024xf32, #tpu.memory_space<hbm>>
    %dma_wait3A_211 = tpu.memref_squeeze %dma_wait3A_210 : memref<1x8x1024xf32, #tpu.memory_space<hbm>> -> memref<8x1024xf32, #tpu.memory_space<hbm>>
    %dma_wait3A_212 = arith.constant 0 : i32
    %dma_wait3A_213 = tpu.memref_slice %arg4[%select_n3A, %mul3A_32, %dma_wait3A_212] : memref<4x4096x1024xf32, #tpu.memory_space<hbm>> -> memref<1x8x1024xf32, #tpu.memory_space<hbm>>
    %dma_wait3A_214 = tpu.memref_squeeze %dma_wait3A_213 : memref<1x8x1024xf32, #tpu.memory_space<hbm>> -> memref<8x1024xf32, #tpu.memory_space<hbm>>
    tpu.wait_dma2 semaphore(%arg27 : memref<!tpu.dma_semaphore, #tpu.memory_space<semaphore_mem>>) src(%arg11 : memref<8x1024xf32, #tpu.memory_space<vmem>>) dst(%dma_wait3A_214 : memref<8x1024xf32, #tpu.memory_space<hbm>>)
    %dma_wait3A_215 = arith.constant 0 : i32
    %dma_wait3A_216 = tpu.memref_slice %arg4[%select_n3A, %mul3A_32, %dma_wait3A_215] : memref<4x4096x1024xf32, #tpu.memory_space<hbm>> -> memref<1x8x1024xf32, #tpu.memory_space<hbm>>
    %dma_wait3A_217 = tpu.memref_squeeze %dma_wait3A_216 : memref<1x8x1024xf32, #tpu.memory_space<hbm>> -> memref<8x1024xf32, #tpu.memory_space<hbm>>
    %dma_wait3A_218 = arith.constant 0 : i32
    %dma_wait3A_219 = tpu.memref_slice %arg4[%select_n3A, %mul3A_32, %dma_wait3A_218] : memref<4x4096x1024xf32, #tpu.memory_space<hbm>> -> memref<1x8x1024xf32, #tpu.memory_space<hbm>>
    %dma_wait3A_220 = tpu.memref_squeeze %dma_wait3A_219 : memref<1x8x1024xf32, #tpu.memory_space<hbm>> -> memref<8x1024xf32, #tpu.memory_space<hbm>>
    tpu.wait_dma2 semaphore(%arg28 : memref<!tpu.dma_semaphore, #tpu.memory_space<semaphore_mem>>) src(%arg12 : memref<8x1024xf32, #tpu.memory_space<vmem>>) dst(%dma_wait3A_220 : memref<8x1024xf32, #tpu.memory_space<hbm>>)
    %dma_wait3A_221 = arith.constant 0 : i32
    %dma_wait3A_222 = tpu.memref_slice %arg4[%select_n3A, %mul3A_32, %dma_wait3A_221] : memref<4x4096x1024xf32, #tpu.memory_space<hbm>> -> memref<1x8x1024xf32, #tpu.memory_space<hbm>>
    %dma_wait3A_223 = tpu.memref_squeeze %dma_wait3A_222 : memref<1x8x1024xf32, #tpu.memory_space<hbm>> -> memref<8x1024xf32, #tpu.memory_space<hbm>>
    %dma_wait3A_224 = arith.constant 0 : i32
    %dma_wait3A_225 = tpu.memref_slice %arg4[%select_n3A, %mul3A_32, %dma_wait3A_224] : memref<4x4096x1024xf32, #tpu.memory_space<hbm>> -> memref<1x8x1024xf32, #tpu.memory_space<hbm>>
    %dma_wait3A_226 = tpu.memref_squeeze %dma_wait3A_225 : memref<1x8x1024xf32, #tpu.memory_space<hbm>> -> memref<8x1024xf32, #tpu.memory_space<hbm>>
    tpu.wait_dma2 semaphore(%arg29 : memref<!tpu.dma_semaphore, #tpu.memory_space<semaphore_mem>>) src(%arg13 : memref<8x1024xf32, #tpu.memory_space<vmem>>) dst(%dma_wait3A_226 : memref<8x1024xf32, #tpu.memory_space<hbm>>)
    return
  }
}

</mosaic_0001>

<sc_bundles>
// kernel: kernel.3.cloned.1.call-start
scs
__scs_entry_jumppad:
0x0: {  	(pc) =	sbr.rel $0x88, $3  }
0x1: {  	(tag) =	ssettag $0x0;
	lr =	simm.s32 $0x1  }
0x2: {  	[smem:$0x3F9F] =	sst lr;
	_ =	strace $0xD0000000  }
0x3: {  	_ = 	snop  }
0x4: {  	_ = 	snop  }
0x5: {  	_ = 	snop  }
0x6: {  	_ = 	snop  }
0x7: {  	_ = 	snop  }
__scs_overlays_trampoline_lowered:
0x8: {  	[smem:$0x3FAE] =	sst s0  }
0x9: {  	[smem:$0x3FAF] =	sst s1  }
0xa: {  	[smem:$0x3FB0] =	sst s2  }
0xb: {  	[smem:$0x3FB1] =	sst s3  }
0xc: {  	[smem:$0x3FB2] =	sst s4  }
0xd: {  	[smem:$0x3FB3] =	sst s5  }
0xe: {  	[smem:$0x3FB4] =	sst s6  }
0xf: {  	[smem:$0x3FB5] =	sst s7  }
0x10: {  	[smem:$0x3FB6] =	sst s8  }
0x11: {  	[smem:$0x3FB7] =	sst s9;
	s0 =	simm.s32 @!p0 $0x0  }
0x12: {  	s1 =	sld [smem:$0x3F9D];
	s0 =	simm.s32 @p0 $0x1  }
0x13: {  	[smem:$0x3FB8] =	sst s0;
	s0 =	simm.s32 @!p1 $0x0  }
0x14: {  	s2 =	sld [smem:$0x3F9C];
	s0 =	simm.s32 @p1 $0x1  }
0x15: {  	[smem:$0x3FB9] =	sst s0;
	s0 =	simm.s32 @!p2 $0x0  }
0x16: {  	s3 =	sld [smem:$0x3FDB];
	s0 =	simm.s32 @p2 $0x1  }
0x17: {  	s4 =	simm.s32 $0x1BF5;
	[smem:$0x3FBB] =	sst s0  }
0x18: {  	s0 =	sld [smem:$0x3F9E];
	_ =	swait.ge [sflag:s4], $0x0  }
0x19: {  	s7 =	sld [smem:$0x3F9F]  }
0x1a: {  	s8 =	sadd.s32 $0xFFFFE003, lr  }
0x1b: {  	s9 =	sadd.s32 $0xFFFFFEF7, lr;
	s5 =	simm.s32 $0xFFFFFFFF;
	p2 =	slt.u32 s8, $0xFFFFF086  }
0x1c: {  	p1 =	slt.u32 s9, $0xF7A;
	s5 =	simm.s32 @!p2 $0x0  }
0x1d: {  	s5 =	simm.s32 @p1 $0x1;
	p0 =	seq.s32 s7, s2  }
0x1e: {  	s7 =	smul.u32 @!p0 $0xF7A, s2;
	p2 =	seq.s32 @!p0 s5, $0x0  }
0x1f: {  	s9 =	smul.u32 $0xF7A, s1;
	s8 =	simm.s32 @!p0 $0x1BF5;
	p2 =	por !p2, p0  }
0x20: {  	[sflag:s8] =	ssyncset.s32 @!p0 $0xFFFFF086;
	s6 =	sadd.s32 @!p0 s3, s7;
	s7 =	simm.s32 @!p0 $0x108  }
0x21: {  	s3 =	sadd.s32 s3, s9;
	s6 =	sadd.s32 @!p0 $0x88, s6;
	s7 =	simm.s32 @p2 $0x1082  }
0x22: {  	[simem:s7], [sflag:s8] =	dma.local @!p0 [hbm:s6], $0xF7A  }
0x23: {  	s9 =	sor.u32 $0xD0000000, s2;
	s6 =	simm.s32 $0x108;
	_ =	swait.ge @!p0 [sflag:s8], $0x0  }
0x24: {  	s3 =	sadd.s32 $0x88, s3;
	s6 =	simm.s32 @!p1 $0x1082;
	[sflag:s4] =	ssyncset.s32 $0xFFFFF086  }
0x25: {  	[simem:s6], [sflag:s4] =	dma.local [hbm:s3], $0xF7A  }
0x26: {  	[smem:$0x3F9F] =	sst s1;
	(tag) =	ssettag s2;
	_ =	strace s9  }
0x27: {  	s1 =	sld [smem:$0x3FAF]  }
0x28: {  	s2 =	sld [smem:$0x3FB0]  }
0x29: {  	s4 =	sld [smem:$0x3FB2]  }
0x2a: {  	p0 =	seq.s32 s5, $0x0;
	s5 =	sld [smem:$0x3FB3]  }
0x2b: {  	s6 =	sld [smem:$0x3FB4]  }
0x2c: {  	s7 =	sld [smem:$0x3FB5]  }
0x2d: {  	s3 =	simm.s32 $0x108;
	s8 =	sld [smem:$0x3FB6]  }
0x2e: {  	s3 =	simm.s32 @!p0 $0x1082;
	s9 =	sld [smem:$0x3FB7]  }
0x2f: {  	lr =	sadd.s32 s0, s3;
	s0 =	sld [smem:$0x3FAE]  }
0x30: {  	s3 =	sld [smem:$0x3FB1]  }
0x31: {  	[smem:$0x3FBA] =	sst s10  }
0x32: {  	s10 =	sld [smem:$0x3FB8];
	_ =	sdelay $0x3  }
0x33: {  	p0 =	seq.s32 s10, $0x1;
	s10 =	sld [smem:$0x3FBA];
	_ =	sdelay $0x3  }
0x34: {  	[smem:$0x3FBA] =	sst s10  }
0x35: {  	s10 =	sld [smem:$0x3FB9];
	_ =	sdelay $0x3  }
0x36: {  	p1 =	seq.s32 s10, $0x1;
	s10 =	sld [smem:$0x3FBA];
	_ =	sdelay $0x3  }
0x37: {  	[smem:$0x3FBA] =	sst s10  }
0x38: {  	s10 =	sld [smem:$0x3FBB]  }
0x39: {  	_ = 	snop;
	(pc) =	sbr.ind lr, $3  }
0x3a: {  	_ = 	snop  }
0x3b: {  	_ = 	snop  }
0x3c: {  	p2 =	seq.s32 s10, $0x1;
	s10 =	sld [smem:$0x3FBA]  }
0x3d: {  	_ =	shalt  }
0x3e: {  	_ =	shalt  }
0x3f: {  	_ =	shalt  }
0x40: {  	_ =	shalt  }
0x41: {  	_ =	shalt  }
0x42: {  	_ =	shalt  }
0x43: {  	_ =	shalt  }
0x44: {  	_ =	shalt  }
0x45: {  	_ =	shalt  }
0x46: {  	_ =	shalt  }
0x47: {  	_ =	shalt  }
0x48: {  	_ =	shalt  }
0x49: {  	_ =	shalt  }
0x4a: {  	_ =	shalt  }
0x4b: {  	_ =	shalt  }
0x4c: {  	_ =	shalt  }
0x4d: {  	_ =	shalt  }
0x4e: {  	_ =	shalt  }
0x4f: {  	_ =	shalt  }
0x50: {  	_ =	shalt  }
0x51: {  	_ =	shalt  }
0x52: {  	_ =	shalt  }
0x53: {  	_ =	shalt  }
0x54: {  	_ =	shalt  }
0x55: {  	_ =	shalt  }
0x56: {  	_ =	shalt  }
0x57: {  	_ =	shalt  }
0x58: {  	_ =	shalt  }
0x59: {  	_ =	shalt  }
0x5a: {  	_ =	shalt  }
0x5b: {  	_ =	shalt  }
0x5c: {  	_ =	shalt  }
0x5d: {  	_ =	shalt  }
0x5e: {  	_ =	shalt  }
0x5f: {  	_ =	shalt  }
0x60: {  	_ =	shalt  }
0x61: {  	_ =	shalt  }
0x62: {  	_ =	shalt  }
0x63: {  	_ =	shalt  }
0x64: {  	_ =	shalt  }
0x65: {  	_ =	shalt  }
0x66: {  	_ =	shalt  }
0x67: {  	_ =	shalt  }
0x68: {  	_ =	shalt  }
0x69: {  	_ =	shalt  }
0x6a: {  	_ =	shalt  }
0x6b: {  	_ =	shalt  }
0x6c: {  	_ =	shalt  }
0x6d: {  	_ =	shalt  }
0x6e: {  	_ =	shalt  }
0x6f: {  	_ =	shalt  }
0x70: {  	_ =	shalt  }
0x71: {  	_ =	shalt  }
0x72: {  	_ =	shalt  }
0x73: {  	_ =	shalt  }
0x74: {  	_ =	shalt  }
0x75: {  	_ =	shalt  }
0x76: {  	_ =	shalt  }
0x77: {  	_ =	shalt  }
0x78: {  	_ =	shalt  }
0x79: {  	_ =	shalt  }
0x7a: {  	_ =	shalt  }
0x7b: {  	_ =	shalt  }
0x7c: {  	_ =	shalt  }
0x7d: {  	_ =	shalt  }
0x7e: {  	_ =	shalt  }
0x7f: {  	_ =	shalt  }
0x80: {  	_ =	shalt  }
0x81: {  	_ =	shalt  }
0x82: {  	_ =	shalt  }
0x83: {  	_ =	shalt  }
0x84: {  	_ =	shalt  }
0x85: {  	_ =	shalt  }
0x86: {  	_ =	shalt  }
0x87: {  	_ =	shalt  }
.Lfunc_end0:
.L_simem_size_0:
called_computation_lowered:
.L_overlay_start_0:
0x88: {  	s2 =	sld [smem:$0x3FD9]  }
0x89: {  	s3 =	sld [smem:$0x3FFE];
	_ =	sdelay $0x1  }
0x8a: {  	s1 =	srdreg.scid  }
0x8b: {  	s0 =	sand.u32 $0x1, s1  }
0x8c: {  	s18 =	sshll.u32 s0, $0xA;
	s2 =	sadd.s32 s3, s2  }
0x8d: {  	s2 =	sadd.s32 s2, s18  }
0x8e: {  	[smem:$0x3FC6] =	sst s2  }
0x8f: {  	_ = 	snop  }
0x90: {  	s2 =	sld [smem:$0x3FC9]  }
0x91: {  	s19 =	sld [smem:$0x3FC8]  }
0x92: {  	s4 =	sld [smem:$0x3FD0];
	(tm) =	ssettm $0x1  }
0x93: {  	s5 =	sld [smem:$0x3FFB];
	_ =	sdelay $0x3  }
0x94: {  	_ =	strace s5  }
0x95: {  	s5 =	sld [smem:$0x3FFC];
	_ =	sdelay $0x3  }
0x96: {  	_ =	strace s5  }
0x97: {  	s5 =	sld [smem:$0x3FFD];
	_ =	sdelay $0x3  }
0x98: {  	_ =	strace s5  }
0x99: {  	_ =	strace $0x8FFFFFFF  }
0x9a: {  	s20 =	sld [smem:$0x3FDB];
	_ =	sdelay $0x1  }
0x9b: {  	s6 =	simm.s32 $_scs_section_size  }
0x9c: {  	s7 =	simm.s32 $_size__tile_overlayer_lowered;
	s8 =	simm.s32 $_tile_overlayer_lowered  }
0x9d: {  	s23 =	simm.s32 $0x1BFF;
	s22 =	sshll.u32 s8, $0x1;
	s5 =	sadd.s32 s6, s20  }
0x9e: {  	s9 =	simm.s32 $0x0;
	s21 =	sshll.u32 s7, $0x1;
	s7 =	sadd.s32 s22, s5  }
0x9f: {  	[timem:s9], [sflag:s23] =	dma.local [hbm:s7], s21  }
0xa0: {  	_ =	swait.ge [sflag:s23], s21  }
0xa1: {  	s6 =	ssub.s32 $0x0, s21;
	[sflag:s23] =	ssyncset.done $0x0  }
0xa2: {  	[sflag:s23] =	ssyncadd.s32 s6;
	_ =	sdelay $0x1  }
0xa3: {  	s24 =	simm.s32 $0x1B8B  }
0xa4: {  	_ =	swait.ge [sflag:s24], $0x1  }
0xa5: {  	[sflag:s24] =	ssyncset.done $0x0  }
0xa6: {  	s25 =	simm.s32 $0x1B8E;
	[sflag:s24] =	ssyncadd.s32 $0xFFFFFFFF  }
0xa7: {  	s26 =	simm.s32 $execute0_lowered;
	[smem:$0x3FD2] =	sst s25  }
0xa8: {  	s6 =	sshll.u32 s26, $0x1;
	_ =	strace $0x80000046;
	[dreg:$0x1] =	wrdreg $0xFFFFFFFF  }
0xa9: {  	s28 =	simm.s32 $_size_execute0_lowered;
	s5 =	sadd.s32 s5, s6;
	[dreg:$0x0] =	wrdreg $0x0  }
0xaa: {  	s6 =	sshll.u32 s28, $0x1;
	[dreg:$0x2] =	wrdreg s5  }
0xab: {  	[dreg:$0x3] =	wrdreg s6  }
0xac: {  	[dreg:$0x4] =	wrdreg $0xC0  }
0xad: {  	_ =	task [dreg:s9], $0x5FFFF  }
0xae: {  	[dreg:$0x1] =	wrdreg $0xFFFFFFFF  }
0xaf: {  	[dreg:$0x0] =	wrdreg $0x60  }
0xb0: {  	[dreg:$0x2] =	wrdreg s2  }
0xb1: {  	[dreg:$0x3] =	wrdreg s19  }
0xb2: {  	[dreg:$0x4] =	wrdreg s4  }
0xb3: {  	[dreg:$0x5] =	wrdreg $0x9  }
0xb4: {  	_ =	task.clear_ibuf [dreg:s9], $0x6FFFF;
	_ =	strace $0x90000046  }
0xb5: {  	s29 =	simm.s32 $0x9;
	_ =	strace $0x80000048  }
0xb6: {  	_ =	swait.ge [sflag:s29], $0x1  }
0xb7: {  	[sflag:s29] =	ssyncadd.s32 $0xFFFFFFFF  }
0xb8: {  	_ =	strace $0x90000048  }
0xb9: {  	_ =	sfence  }
0xba: {  	s30 =	sld [smem:$0x0];
	_ =	sdelay $0x2  }
0xbb: {  	s31 =	sshll.u32 s1, $0xD;
	s1 =	sshrl.u32 s1, $0x2  }
0xbc: {  	s3 =	sand.u32 $0x4000, s31;
	s1 =	sadd.s32 s1, s30  }
0xbd: {  	s0 =	sor.u32 s3, s0;
	s1 =	sshll.u32 s1, $0x11  }
0xbe: {  	s0 =	sor.u32 s1, s0  }
0xbf: {  	s0 =	sadd.s32 $0x8F2B, s0  }
0xc0: {  	[sflag:s0] =	ssyncadd.remote.s32 $0x1  }
0xc1: {  	_ =	sfence.sel $0xFFFF  }
0xc2: {  	[dreg:$0x0] =	wrdreg $0xFFFFFFFF;
	(pc) =	sbr.abs _section_cstart, $3  }
0xc3: {  	[dreg:$0x1] =	wrdreg $0xFFFFFFFF  }
0xc4: {  	_ =	task.clear_ibuf [dreg:s9], $0x2FFFF;
	_ =	strace $0x9FFFFFFF  }
0xc5: {  	(tm) =	ssettm $0x7FFFFFFF  }
tec
execute0_lowered:
.L_overlay_start_1:
0x0: {  	(tag) =	ssettag $0x1  }
0x1: {  	s2 =	rddreg [dreg:$0x0]  }
0x2: {  	s1 =	rddreg [dreg:$0x1]  }
0x3: {  	s0 =	rddreg [dreg:$0x2]  }
0x4: {  	s3 =	simm.s32 $0x0;
	s4 =	srdreg.scid;
	s10 =	stileid.u32  }
0x5: {  	s28 =	simm.s32 $0x1A00;
	s29 =	simm.s32 $0x8200;
	s30 =	simm.s32 $0x8A00  }
0x6: {  	s31 =	simm.s32 $0xA200;
	[smem:$0x7FF] =	sst s3;
	s4 =	sand.u32 $0x1, s4  }
0x7: {  	s5 =	sshll.u32 s10, $0x1;
	s7 =	sshrl.u32 s10, $0x2;
	s19 =	sand.u32 $0x3, s10  }
0x8: {  	_ =	strace $0x80000047;
	s6 =	ssub.s32 $0x2, s4;
	s5 =	sand.u32 $0x6, s5  }
0x9: {  	s9 =	sshll.u32 s7, $0x4;
	s17 =	sshll.u32 s7, $0x16;
	s8 =	sshrl.u32 s6, $0x1  }
0xa: {  	s5 =	sor.u32 s4, s5;
	s2 =	sadd.s32 s2, s9;
	s9 =	sshll.u32 s19, $0x14  }
0xb: {  	s4 =	sshll.u32 s4, $0x13;
	s8 =	ssub.s32 s6, s8;
	s18 =	sshll.u32 s5, $0x13  }
0xc: {  	s16 =	sshll.u32 s5, $0x8;
	s5 =	sadd.s32 $0x100, s1;
	s7 =	sor.u32 s17, s18  }
0xd: {  	s6 =	sadd.s32 $0x200, s1;
	s2 =	sadd.s32 s16, s2;
	s7 =	sshrl.u32 s7, $0x3  }
0xe: {  	[dreg:$0xc] =	wrdreg s2;
	s2 =	sor.u32 s9, s17;
	s10 =	sadd.s32 s7, s0  }
0xf: {  	s7 =	sadd.s32 $0x300, s1;
	s2 =	sor.u32 s4, s2;
	s20 =	sadd.s32 $0xE000, s10  }
0x10: {  	s21 =	sadd.s32 $0xE400, s10;
	s22 =	sadd.s32 $0xE800, s10;
	[dreg:$0xd] =	wrdreg s20  }
0x11: {  	s23 =	sor.u32 $0xE000, s2;
	s24 =	sadd.s32 $0xEC00, s10;
	[dreg:$0xe] =	wrdreg s21  }
0x12: {  	s25 =	sadd.s32 $0xF000, s10;
	s26 =	sadd.s32 $0xF400, s10;
	[dreg:$0xf] =	wrdreg s22  }
0x13: {  	s11 =	sor.u32 $0xC000, s2;
	s13 =	sor.u32 $0xA000, s2;
	[dreg:$0x10] =	wrdreg s24  }
0x14: {  	s17 =	sor.u32 $0x6000, s2;
	s19 =	sor.u32 $0x4000, s2;
	[dreg:$0x11] =	wrdreg s25  }
0x15: {  	s4 =	sshrl.u32 s23, $0x3;
	[dreg:$0x12] =	wrdreg s26;
	s12 =	sshrl.u32 s11, $0x3  }
0x16: {  	s9 =	sshrl.u32 s13, $0x3;
	s11 =	sor.u32 $0x8000, s2;
	s18 =	sshrl.u32 s17, $0x3  }
0x17: {  	s20 =	sor.u32 $0x2000, s2;
	s2 =	sshrl.u32 s2, $0x3;
	s24 =	sadd.s32 $0xF800, s10  }
0x18: {  	s25 =	sadd.s32 $0xFC00, s10;
	s26 =	smax.u32 s8, $0x1;
	s8 =	simm.s32 $0x2200  }
0x19: {  	s17 =	simm.s32 $0xC200;
	s10 =	simm.s32 $0xEA00;
	s4 =	sadd.s32 s4, s0  }
0x1a: {  	s14 =	sadd.s32 s9, s0;
	s15 =	sshrl.u32 s11, $0x3;
	[dreg:$0x13] =	wrdreg s24  }
0x1b: {  	s9 =	sshrl.u32 s19, $0x3;
	s22 =	sshrl.u32 s20, $0x3;
	[dreg:$0x14] =	wrdreg s25  }
0x1c: {  	[dreg:$0x15] =	wrdreg s26;
	s11 =	simm.s32 $0x0;
	s19 =	simm.s32 $0x3  }
0x1d: {  	s24 =	simm.s32 $0x5;
	s20 =	simm.s32 $0x6;
	[dreg:$0x4] =	wrdreg s4  }
0x1e: {  	s4 =	sadd.s32 s12, s0;
	[dreg:$0x6] =	wrdreg s14;
	s16 =	sadd.s32 s15, s0  }
0x1f: {  	s21 =	sadd.s32 s9, s0;
	s23 =	sadd.s32 s22, s0;
	[dreg:$0x5] =	wrdreg s4  }
0x20: {  	s12 =	simm.s32 $0x4A00;
	s22 =	simm.s32 $0x6A00;
	[dreg:$0x7] =	wrdreg s16  }
0x21: {  	s9 =	simm.s32 $0xE200;
	s14 =	simm.s32 $0x2;
	[dreg:$0x9] =	wrdreg s21  }
0x22: {  	s15 =	simm.s32 $0x7;
	s4 =	sadd.s32 s18, s0;
	[dreg:$0xa] =	wrdreg s23  }
0x23: {  	v0 =	vlaneseq.u32;
	s0 =	sadd.s32 s2, s0;
	s18 =	simm.s32 $0x4200;
	s16 =	simm.s32 $0x6200  }
0x24: {  	v1 =	vshrl.u32 v0, $0x3;
	s2 =	simm.s32 $0xAA00;
	s21 =	simm.s32 $0x4;
	[dreg:$0x8] =	wrdreg s4  }
0x25: {  	vm0 =	vmmov $0xffff;
	v0 =	vand.u32 $0x7, v0;
	v1 =	vmul.u32 $0x8, v1;
	[dreg:$0xb] =	wrdreg s0;
	s0 =	simm.s32 $0x1200;
	s4 =	simm.s32 $0xCA00  }
.LBB2_1:
0x26: {  	s23 =	rddreg [dreg:$0xc];
	s25 =	simm.s32 $0x80;
	s26 =	simm.s32 $0x200  }
0x27: {  	[tilespmem:s3], [sflag:$0x11] =	stream.strided.gather [hbm4b:s23+s25], $0x200, s26, s25, $0x38;
	[tilespmem:$0x10200] =	vst v63  }
0x28: {  	[dreg:$0x16] =	wrdreg s11;
	s26 =	simm.s32 $0x11  }
0x29: {  	_ =	swait.ge [sflag:s26], $0x200  }
0x2a: {  	[sflag:s26] =	ssyncset.done $0x0  }
0x2b: {  	[sflag:s26] =	ssyncadd.s32 $0xFFFFFE00  }
0x2c: {  	v2 =	vld.msk [tilespmem:$0x0], $0xff;
	_ =	sdelay $0x4  }
0x2d: {  	v3 =	vshll.u32 v2, $0x3  }
0x2e: {  	v2 =	vand.u32 $0x7, v2;
	v3 =	vand.u32 $0xFFFFFFC0, v3  }
0x2f: {  	v2 =	vor.u32 v2, v3  }
0x30: {  	v2 =	vperm.xlane v2, v0;
	_ =	sdelay $0x1  }
0x31: {  	v2 =	vadd.s32 v1, v2;
	_ =	sdelay $0x3  }
0x32: {  	s25 =	simm.s32 $0x200  }
0x33: {  	[tilespmem:s25], [sflag:$0x1] =	stream.indirect_vreg.gather [hbm4b:s1+s3], $0x80, v2, vm0, $0xb8;
	[tilespmem:$0x10200] =	vst v63  }
0x34: {  	s26 =	simm.s32 $0xA00  }
0x35: {  	[tilespmem:s26], [sflag:$0x1] =	stream.indirect_vreg.gather [hbm4b:s5+s3], $0x80, v2, vm0, $0xb8;
	[tilespmem:$0x10200] =	vst v63  }
0x36: {  	_ = 	snop  }
0x37: {  	[tilespmem:s0], [sflag:$0x1] =	stream.indirect_vreg.gather [hbm4b:s6+s3], $0x80, v2, vm0, $0xb8;
	[tilespmem:$0x10200] =	vst v63  }
0x38: {  	_ = 	snop  }
0x39: {  	[tilespmem:s28], [sflag:$0x1] =	stream.indirect_vreg.gather [hbm4b:s7+s3], $0x80, v2, vm0, $0xb8;
	[tilespmem:$0x10200] =	vst v63  }
0x3a: {  	v2 =	vld.msk [tilespmem:$0x8], $0xff;
	_ =	sdelay $0x4  }
0x3b: {  	v3 =	vshll.u32 v2, $0x3  }
0x3c: {  	v2 =	vand.u32 $0x7, v2;
	v3 =	vand.u32 $0xFFFFFFC0, v3  }
0x3d: {  	v2 =	vor.u32 v2, v3  }
0x3e: {  	v2 =	vperm.xlane v2, v0;
	_ =	sdelay $0x1  }
0x3f: {  	v2 =	vadd.s32 v1, v2;
	_ =	sdelay $0x4  }
0x40: {  	[tilespmem:s8], [sflag:$0x2] =	stream.indirect_vreg.gather [hbm4b:s1+s3], $0x80, v2, vm0, $0xb8;
	[tilespmem:$0x10200] =	vst v63  }
0x41: {  	s25 =	simm.s32 $0x2A00  }
0x42: {  	[tilespmem:s25], [sflag:$0x2] =	stream.indirect_vreg.gather [hbm4b:s5+s3], $0x80, v2, vm0, $0xb8;
	[tilespmem:$0x10200] =	vst v63  }
0x43: {  	s26 =	simm.s32 $0x3200  }
0x44: {  	[tilespmem:s26], [sflag:$0x2] =	stream.indirect_vreg.gather [hbm4b:s6+s3], $0x80, v2, vm0, $0xb8;
	[tilespmem:$0x10200] =	vst v63  }
0x45: {  	s28 =	simm.s32 $0x3A00  }
0x46: {  	[tilespmem:s28], [sflag:$0x2] =	stream.indirect_vreg.gather [hbm4b:s7+s3], $0x80, v2, vm0, $0xb8;
	[tilespmem:$0x10200] =	vst v63  }
0x47: {  	v2 =	vld.msk [tilespmem:$0x10], $0xff;
	_ =	sdelay $0x4  }
0x48: {  	v3 =	vshll.u32 v2, $0x3  }
0x49: {  	v2 =	vand.u32 $0x7, v2;
	v3 =	vand.u32 $0xFFFFFFC0, v3  }
0x4a: {  	v2 =	vor.u32 v2, v3  }
0x4b: {  	v2 =	vperm.xlane v2, v0;
	_ =	sdelay $0x1  }
0x4c: {  	v2 =	vadd.s32 v1, v2;
	_ =	sdelay $0x4  }
0x4d: {  	[tilespmem:s18], [sflag:$0x3] =	stream.indirect_vreg.gather [hbm4b:s1+s3], $0x80, v2, vm0, $0xb8;
	[tilespmem:$0x10200] =	vst v63  }
0x4e: {  	_ = 	snop  }
0x4f: {  	[tilespmem:s12], [sflag:$0x3] =	stream.indirect_vreg.gather [hbm4b:s5+s3], $0x80, v2, vm0, $0xb8;
	[tilespmem:$0x10200] =	vst v63  }
0x50: {  	s8 =	simm.s32 $0x5200  }
0x51: {  	[tilespmem:s8], [sflag:$0x3] =	stream.indirect_vreg.gather [hbm4b:s6+s3], $0x80, v2, vm0, $0xb8;
	[tilespmem:$0x10200] =	vst v63  }
0x52: {  	s12 =	simm.s32 $0x5A00  }
0x53: {  	[tilespmem:s12], [sflag:$0x3] =	stream.indirect_vreg.gather [hbm4b:s7+s3], $0x80, v2, vm0, $0xb8;
	[tilespmem:$0x10200] =	vst v63  }
0x54: {  	v2 =	vld.msk [tilespmem:$0x18], $0xff;
	_ =	sdelay $0x4  }
0x55: {  	v3 =	vshll.u32 v2, $0x3  }
0x56: {  	v2 =	vand.u32 $0x7, v2;
	v3 =	vand.u32 $0xFFFFFFC0, v3  }
0x57: {  	v2 =	vor.u32 v2, v3  }
0x58: {  	v2 =	vperm.xlane v2, v0;
	_ =	sdelay $0x1  }
0x59: {  	v2 =	vadd.s32 v1, v2;
	_ =	sdelay $0x4  }
0x5a: {  	[tilespmem:s16], [sflag:$0x4] =	stream.indirect_vreg.gather [hbm4b:s1+s3], $0x80, v2, vm0, $0xb8;
	[tilespmem:$0x10200] =	vst v63  }
0x5b: {  	_ = 	snop  }
0x5c: {  	[tilespmem:s22], [sflag:$0x4] =	stream.indirect_vreg.gather [hbm4b:s5+s3], $0x80, v2, vm0, $0xb8;
	[tilespmem:$0x10200] =	vst v63  }
0x5d: {  	s16 =	simm.s32 $0x7200  }
0x5e: {  	[tilespmem:s16], [sflag:$0x4] =	stream.indirect_vreg.gather [hbm4b:s6+s3], $0x80, v2, vm0, $0xb8;
	[tilespmem:$0x10200] =	vst v63  }
0x5f: {  	s18 =	simm.s32 $0x7A00  }
0x60: {  	[tilespmem:s18], [sflag:$0x4] =	stream.indirect_vreg.gather [hbm4b:s7+s3], $0x80, v2, vm0, $0xb8;
	[tilespmem:$0x10200] =	vst v63  }
0x61: {  	v2 =	vld.msk [tilespmem:$0x20], $0xff;
	_ =	sdelay $0x4  }
0x62: {  	v3 =	vshll.u32 v2, $0x3  }
0x63: {  	v2 =	vand.u32 $0x7, v2;
	v3 =	vand.u32 $0xFFFFFFC0, v3  }
0x64: {  	v2 =	vor.u32 v2, v3  }
0x65: {  	v2 =	vperm.xlane v2, v0;
	_ =	sdelay $0x1  }
0x66: {  	v2 =	vadd.s32 v1, v2;
	_ =	sdelay $0x4  }
0x67: {  	[tilespmem:s29], [sflag:$0x5] =	stream.indirect_vreg.gather [hbm4b:s1+s3], $0x80, v2, vm0, $0xb8;
	[tilespmem:$0x10200] =	vst v63  }
0x68: {  	_ = 	snop  }
0x69: {  	[tilespmem:s30], [sflag:$0x5] =	stream.indirect_vreg.gather [hbm4b:s5+s3], $0x80, v2, vm0, $0xb8;
	[tilespmem:$0x10200] =	vst v63  }
0x6a: {  	s22 =	simm.s32 $0x9200  }
0x6b: {  	[tilespmem:s22], [sflag:$0x5] =	stream.indirect_vreg.gather [hbm4b:s6+s3], $0x80, v2, vm0, $0xb8;
	[tilespmem:$0x10200] =	vst v63  }
0x6c: {  	s23 =	simm.s32 $0x9A00  }
0x6d: {  	[tilespmem:s23], [sflag:$0x5] =	stream.indirect_vreg.gather [hbm4b:s7+s3], $0x80, v2, vm0, $0xb8;
	[tilespmem:$0x10200] =	vst v63  }
0x6e: {  	v2 =	vld.msk [tilespmem:$0x28], $0xff;
	_ =	sdelay $0x4  }
0x6f: {  	v3 =	vshll.u32 v2, $0x3  }
0x70: {  	v2 =	vand.u32 $0x7, v2;
	v3 =	vand.u32 $0xFFFFFFC0, v3  }
0x71: {  	v2 =	vor.u32 v2, v3  }
0x72: {  	v2 =	vperm.xlane v2, v0;
	_ =	sdelay $0x1  }
0x73: {  	v2 =	vadd.s32 v1, v2;
	_ =	sdelay $0x4  }
0x74: {  	[tilespmem:s31], [sflag:$0x6] =	stream.indirect_vreg.gather [hbm4b:s1+s3], $0x80, v2, vm0, $0xb8;
	[tilespmem:$0x10200] =	vst v63  }
0x75: {  	_ = 	snop  }
0x76: {  	[tilespmem:s2], [sflag:$0x6] =	stream.indirect_vreg.gather [hbm4b:s5+s3], $0x80, v2, vm0, $0xb8;
	[tilespmem:$0x10200] =	vst v63  }
0x77: {  	s25 =	simm.s32 $0xB200  }
0x78: {  	[tilespmem:s25], [sflag:$0x6] =	stream.indirect_vreg.gather [hbm4b:s6+s3], $0x80, v2, vm0, $0xb8;
	[tilespmem:$0x10200] =	vst v63  }
0x79: {  	s26 =	simm.s32 $0xBA00  }
0x7a: {  	[tilespmem:s26], [sflag:$0x6] =	stream.indirect_vreg.gather [hbm4b:s7+s3], $0x80, v2, vm0, $0xb8;
	[tilespmem:$0x10200] =	vst v63  }
0x7b: {  	v2 =	vld.msk [tilespmem:$0x30], $0xff;
	_ =	sdelay $0x4  }
0x7c: {  	v3 =	vshll.u32 v2, $0x3  }
0x7d: {  	v2 =	vand.u32 $0x7, v2;
	v3 =	vand.u32 $0xFFFFFFC0, v3  }
0x7e: {  	v2 =	vor.u32 v2, v3  }
0x7f: {  	v2 =	vperm.xlane v2, v0;
	_ =	sdelay $0x1  }
0x80: {  	v2 =	vadd.s32 v1, v2;
	_ =	sdelay $0x4  }
0x81: {  	[tilespmem:s17], [sflag:$0x7] =	stream.indirect_vreg.gather [hbm4b:s1+s3], $0x80, v2, vm0, $0xb8;
	[tilespmem:$0x10200] =	vst v63  }
0x82: {  	_ = 	snop  }
0x83: {  	[tilespmem:s4], [sflag:$0x7] =	stream.indirect_vreg.gather [hbm4b:s5+s3], $0x80, v2, vm0, $0xb8;
	[tilespmem:$0x10200] =	vst v63  }
0x84: {  	s28 =	simm.s32 $0xD200  }
0x85: {  	[tilespmem:s28], [sflag:$0x7] =	stream.indirect_vreg.gather [hbm4b:s6+s3], $0x80, v2, vm0, $0xb8;
	[tilespmem:$0x10200] =	vst v63  }
0x86: {  	s29 =	simm.s32 $0xDA00  }
0x87: {  	[tilespmem:s29], [sflag:$0x7] =	stream.indirect_vreg.gather [hbm4b:s7+s3], $0x80, v2, vm0, $0xb8;
	[tilespmem:$0x10200] =	vst v63  }
0x88: {  	v2 =	vld.msk [tilespmem:$0x38], $0xff;
	_ =	sdelay $0x4  }
0x89: {  	v3 =	vshll.u32 v2, $0x3  }
0x8a: {  	v2 =	vand.u32 $0x7, v2;
	v3 =	vand.u32 $0xFFFFFFC0, v3  }
0x8b: {  	v2 =	vor.u32 v2, v3  }
0x8c: {  	v2 =	vperm.xlane v2, v0;
	_ =	sdelay $0x1  }
0x8d: {  	v2 =	vadd.s32 v1, v2;
	_ =	sdelay $0x4  }
0x8e: {  	[tilespmem:s9], [sflag:$0x8] =	stream.indirect_vreg.gather [hbm4b:s1+s3], $0x80, v2, vm0, $0xb8;
	[tilespmem:$0x10200] =	vst v63  }
0x8f: {  	_ = 	snop  }
0x90: {  	[tilespmem:s10], [sflag:$0x8] =	stream.indirect_vreg.gather [hbm4b:s5+s3], $0x80, v2, vm0, $0xb8;
	[tilespmem:$0x10200] =	vst v63  }
0x91: {  	s13 =	simm.s32 $0x8;
	s11 =	simm.s32 $0x1;
	s30 =	simm.s32 $0xF200  }
0x92: {  	[tilespmem:s30], [sflag:$0x8] =	stream.indirect_vreg.gather [hbm4b:s6+s3], $0x80, v2, vm0, $0xb8;
	[tilespmem:$0x10200] =	vst v63  }
0x93: {  	s31 =	simm.s32 $0xFA00;
	s25 =	simm.s32 $0x78;
	s26 =	simm.s32 $0x0  }
0x94: {  	[tilespmem:s31], [sflag:$0x8] =	stream.indirect_vreg.gather [hbm4b:s7+s3], $0x80, v2, vm0, $0xb8;
	[tilespmem:$0x10200] =	vst v63  }
.LBB2_2:
0x95: {  	_ =	swait.ge [sflag:s11], $0x2000  }
0x96: {  	s0 =	simm.s32 $0x200;
	s23 =	rddreg [dreg:$0xb];
	[sflag:s11] =	ssyncset.done $0x0  }
0x97: {  	s2 =	simm.s32 $0x9;
	[sflag:s11] =	ssyncadd.s32 $0xFFFFE000;
	s23 =	sadd.s32 s26, s23  }
0x98: {  	[hbm4b:s23+s3] =	stream.linear.scatter [tilespmem:s0], [sflag:$0x9], $0x2000, $0x38;
	[tilespmem:$0x10200] =	vst v63  }
0x99: {  	_ =	swait.ge [sflag:s2], $0x2000  }
0x9a: {  	[sflag:s2] =	ssyncset.done $0x0  }
0x9b: {  	[sflag:s2] =	ssyncadd.s32 $0xFFFFE000  }
0x9c: {  	v2 =	vld.msk [tilespmem:s25+$0xFFFFFFC8], $0xff;
	_ =	sdelay $0x4  }
0x9d: {  	v3 =	vshll.u32 v2, $0x3  }
0x9e: {  	v2 =	vand.u32 $0x7, v2;
	v3 =	vand.u32 $0xFFFFFFC0, v3  }
0x9f: {  	v2 =	vor.u32 v2, v3  }
0xa0: {  	v2 =	vperm.xlane v2, v0;
	_ =	sdelay $0x1  }
0xa1: {  	v2 =	vadd.s32 v1, v2;
	_ =	sdelay $0x4  }
0xa2: {  	[tilespmem:s0], [sflag:$0x1] =	stream.indirect_vreg.gather [hbm4b:s1+s3], $0x80, v2, vm0, $0xb8;
	[tilespmem:$0x10200] =	vst v63  }
0xa3: {  	s10 =	simm.s32 $0xA00  }
0xa4: {  	[tilespmem:s10], [sflag:$0x1] =	stream.indirect_vreg.gather [hbm4b:s5+s3], $0x80, v2, vm0, $0xb8;
	[tilespmem:$0x10200] =	vst v63  }
0xa5: {  	s0 =	simm.s32 $0x1200  }
0xa6: {  	[tilespmem:s0], [sflag:$0x1] =	stream.indirect_vreg.gather [hbm4b:s6+s3], $0x80, v2, vm0, $0xb8;
	[tilespmem:$0x10200] =	vst v63  }
0xa7: {  	s12 =	simm.s32 $0x1A00  }
0xa8: {  	[tilespmem:s12], [sflag:$0x1] =	stream.indirect_vreg.gather [hbm4b:s7+s3], $0x80, v2, vm0, $0xb8;
	[tilespmem:$0x10200] =	vst v63  }
0xa9: {  	_ =	swait.ge [sflag:s14], $0x2000  }
0xaa: {  	s18 =	simm.s32 $0x2200;
	s16 =	rddreg [dreg:$0xa];
	[sflag:s14] =	ssyncset.done $0x0  }
0xab: {  	s17 =	simm.s32 $0xA;
	[sflag:s14] =	ssyncadd.s32 $0xFFFFE000;
	s23 =	sadd.s32 s26, s16  }
0xac: {  	[hbm4b:s23+s3] =	stream.linear.scatter [tilespmem:s18], [sflag:$0xA], $0x2000, $0x38;
	[tilespmem:$0x10200] =	vst v63  }
0xad: {  	_ =	swait.ge [sflag:s17], $0x2000  }
0xae: {  	[sflag:s17] =	ssyncset.done $0x0  }
0xaf: {  	[sflag:s17] =	ssyncadd.s32 $0xFFFFE000  }
0xb0: {  	v2 =	vld.msk [tilespmem:s25+$0xFFFFFFD0], $0xff;
	_ =	sdelay $0x4  }
0xb1: {  	v3 =	vshll.u32 v2, $0x3  }
0xb2: {  	v2 =	vand.u32 $0x7, v2;
	v3 =	vand.u32 $0xFFFFFFC0, v3  }
0xb3: {  	v2 =	vor.u32 v2, v3  }
0xb4: {  	v2 =	vperm.xlane v2, v0;
	_ =	sdelay $0x1  }
0xb5: {  	v2 =	vadd.s32 v1, v2;
	_ =	sdelay $0x4  }
0xb6: {  	[tilespmem:s18], [sflag:$0x2] =	stream.indirect_vreg.gather [hbm4b:s1+s3], $0x80, v2, vm0, $0xb8;
	[tilespmem:$0x10200] =	vst v63  }
0xb7: {  	s22 =	simm.s32 $0x2A00  }
0xb8: {  	[tilespmem:s22], [sflag:$0x2] =	stream.indirect_vreg.gather [hbm4b:s5+s3], $0x80, v2, vm0, $0xb8;
	[tilespmem:$0x10200] =	vst v63  }
0xb9: {  	s23 =	simm.s32 $0x3200  }
0xba: {  	[tilespmem:s23], [sflag:$0x2] =	stream.indirect_vreg.gather [hbm4b:s6+s3], $0x80, v2, vm0, $0xb8;
	[tilespmem:$0x10200] =	vst v63  }
0xbb: {  	s4 =	simm.s32 $0x3A00  }
0xbc: {  	[tilespmem:s4], [sflag:$0x2] =	stream.indirect_vreg.gather [hbm4b:s7+s3], $0x80, v2, vm0, $0xb8;
	[tilespmem:$0x10200] =	vst v63  }
0xbd: {  	_ =	swait.ge [sflag:s19], $0x2000  }
0xbe: {  	s10 =	simm.s32 $0xB;
	s9 =	rddreg [dreg:$0x9];
	[sflag:s19] =	ssyncset.done $0x0  }
0xbf: {  	s12 =	simm.s32 $0x4200;
	[sflag:s19] =	ssyncadd.s32 $0xFFFFE000;
	s23 =	sadd.s32 s26, s9  }
0xc0: {  	[hbm4b:s23+s3] =	stream.linear.scatter [tilespmem:s12], [sflag:$0xB], $0x2000, $0x38;
	[tilespmem:$0x10200] =	vst v63  }
0xc1: {  	_ =	swait.ge [sflag:s10], $0x2000  }
0xc2: {  	[sflag:s10] =	ssyncset.done $0x0  }
0xc3: {  	[sflag:s10] =	ssyncadd.s32 $0xFFFFE000  }
0xc4: {  	v2 =	vld.msk [tilespmem:s25+$0xFFFFFFD8], $0xff;
	_ =	sdelay $0x4  }
0xc5: {  	v3 =	vshll.u32 v2, $0x3  }
0xc6: {  	v2 =	vand.u32 $0x7, v2;
	v3 =	vand.u32 $0xFFFFFFC0, v3  }
0xc7: {  	v2 =	vor.u32 v2, v3  }
0xc8: {  	v2 =	vperm.xlane v2, v0;
	_ =	sdelay $0x1  }
0xc9: {  	v2 =	vadd.s32 v1, v2;
	_ =	sdelay $0x4  }
0xca: {  	[tilespmem:s12], [sflag:$0x3] =	stream.indirect_vreg.gather [hbm4b:s1+s3], $0x80, v2, vm0, $0xb8;
	[tilespmem:$0x10200] =	vst v63  }
0xcb: {  	s12 =	simm.s32 $0x4A00  }
0xcc: {  	[tilespmem:s12], [sflag:$0x3] =	stream.indirect_vreg.gather [hbm4b:s5+s3], $0x80, v2, vm0, $0xb8;
	[tilespmem:$0x10200] =	vst v63  }
0xcd: {  	s16 =	simm.s32 $0x5200  }
0xce: {  	[tilespmem:s16], [sflag:$0x3] =	stream.indirect_vreg.gather [hbm4b:s6+s3], $0x80, v2, vm0, $0xb8;
	[tilespmem:$0x10200] =	vst v63  }
0xcf: {  	s17 =	simm.s32 $0x5A00  }
0xd0: {  	[tilespmem:s17], [sflag:$0x3] =	stream.indirect_vreg.gather [hbm4b:s7+s3], $0x80, v2, vm0, $0xb8;
	[tilespmem:$0x10200] =	vst v63  }
0xd1: {  	_ =	swait.ge [sflag:s21], $0x2000  }
0xd2: {  	s22 =	rddreg [dreg:$0x8];
	[sflag:s21] =	ssyncset.done $0x0  }
0xd3: {  	[sflag:s21] =	ssyncadd.s32 $0xFFFFE000;
	s23 =	sadd.s32 s26, s22;
	s22 =	simm.s32 $0x6200  }
0xd4: {  	[hbm4b:s23+s3] =	stream.linear.scatter [tilespmem:s22], [sflag:$0xC], $0x2000, $0x38;
	[tilespmem:$0x10200] =	vst v63  }
0xd5: {  	s23 =	simm.s32 $0xC  }
0xd6: {  	_ =	swait.ge [sflag:s23], $0x2000  }
0xd7: {  	[sflag:s23] =	ssyncset.done $0x0  }
0xd8: {  	[sflag:s23] =	ssyncadd.s32 $0xFFFFE000  }
0xd9: {  	v2 =	vld.msk [tilespmem:s25+$0xFFFFFFE0], $0xff;
	_ =	sdelay $0x4  }
0xda: {  	v3 =	vshll.u32 v2, $0x3  }
0xdb: {  	v2 =	vand.u32 $0x7, v2;
	v3 =	vand.u32 $0xFFFFFFC0, v3  }
0xdc: {  	v2 =	vor.u32 v2, v3  }
0xdd: {  	v2 =	vperm.xlane v2, v0;
	_ =	sdelay $0x1  }
0xde: {  	v2 =	vadd.s32 v1, v2;
	_ =	sdelay $0x4  }
0xdf: {  	[tilespmem:s22], [sflag:$0x4] =	stream.indirect_vreg.gather [hbm4b:s1+s3], $0x80, v2, vm0, $0xb8;
	[tilespmem:$0x10200] =	vst v63  }
0xe0: {  	s22 =	simm.s32 $0x6A00  }
0xe1: {  	[tilespmem:s22], [sflag:$0x4] =	stream.indirect_vreg.gather [hbm4b:s5+s3], $0x80, v2, vm0, $0xb8;
	[tilespmem:$0x10200] =	vst v63  }
0xe2: {  	s4 =	simm.s32 $0x7200  }
0xe3: {  	[tilespmem:s4], [sflag:$0x4] =	stream.indirect_vreg.gather [hbm4b:s6+s3], $0x80, v2, vm0, $0xb8;
	[tilespmem:$0x10200] =	vst v63  }
0xe4: {  	s9 =	simm.s32 $0x7A00  }
0xe5: {  	[tilespmem:s9], [sflag:$0x4] =	stream.indirect_vreg.gather [hbm4b:s7+s3], $0x80, v2, vm0, $0xb8;
	[tilespmem:$0x10200] =	vst v63  }
0xe6: {  	_ =	swait.ge [sflag:s24], $0x2000  }
0xe7: {  	s30 =	simm.s32 $0x8200;
	s10 =	rddreg [dreg:$0x7];
	[sflag:s24] =	ssyncset.done $0x0  }
0xe8: {  	s17 =	simm.s32 $0xD;
	[sflag:s24] =	ssyncadd.s32 $0xFFFFE000;
	s23 =	sadd.s32 s26, s10  }
0xe9: {  	[hbm4b:s23+s3] =	stream.linear.scatter [tilespmem:s30], [sflag:$0xD], $0x2000, $0x38;
	[tilespmem:$0x10200] =	vst v63  }
0xea: {  	_ =	swait.ge [sflag:s17], $0x2000  }
0xeb: {  	[sflag:s17] =	ssyncset.done $0x0  }
0xec: {  	[sflag:s17] =	ssyncadd.s32 $0xFFFFE000  }
0xed: {  	v2 =	vld.msk [tilespmem:s25+$0xFFFFFFE8], $0xff;
	_ =	sdelay $0x4  }
0xee: {  	v3 =	vshll.u32 v2, $0x3  }
0xef: {  	v2 =	vand.u32 $0x7, v2;
	v3 =	vand.u32 $0xFFFFFFC0, v3  }
0xf0: {  	v2 =	vor.u32 v2, v3  }
0xf1: {  	v2 =	vperm.xlane v2, v0;
	_ =	sdelay $0x1  }
0xf2: {  	v2 =	vadd.s32 v1, v2;
	_ =	sdelay $0x4  }
0xf3: {  	[tilespmem:s30], [sflag:$0x5] =	stream.indirect_vreg.gather [hbm4b:s1+s3], $0x80, v2, vm0, $0xb8;
	[tilespmem:$0x10200] =	vst v63  }
0xf4: {  	s30 =	simm.s32 $0x8A00  }
0xf5: {  	[tilespmem:s30], [sflag:$0x5] =	stream.indirect_vreg.gather [hbm4b:s5+s3], $0x80, v2, vm0, $0xb8;
	[tilespmem:$0x10200] =	vst v63  }
0xf6: {  	s23 =	simm.s32 $0x9200  }
0xf7: {  	[tilespmem:s23], [sflag:$0x5] =	stream.indirect_vreg.gather [hbm4b:s6+s3], $0x80, v2, vm0, $0xb8;
	[tilespmem:$0x10200] =	vst v63  }
0xf8: {  	s4 =	simm.s32 $0x9A00  }
0xf9: {  	[tilespmem:s4], [sflag:$0x5] =	stream.indirect_vreg.gather [hbm4b:s7+s3], $0x80, v2, vm0, $0xb8;
	[tilespmem:$0x10200] =	vst v63  }
0xfa: {  	_ =	swait.ge [sflag:s20], $0x2000  }
0xfb: {  	s10 =	simm.s32 $0xA200;
	s9 =	rddreg [dreg:$0x6];
	[sflag:s20] =	ssyncset.done $0x0  }
0xfc: {  	s4 =	simm.s32 $0xE;
	[sflag:s20] =	ssyncadd.s32 $0xFFFFE000;
	s23 =	sadd.s32 s26, s9  }
0xfd: {  	[hbm4b:s23+s3] =	stream.linear.scatter [tilespmem:s10], [sflag:$0xE], $0x2000, $0x38;
	[tilespmem:$0x10200] =	vst v63  }
0xfe: {  	_ =	swait.ge [sflag:s4], $0x2000  }
0xff: {  	[sflag:s4] =	ssyncset.done $0x0  }
0x100: {  	[sflag:s4] =	ssyncadd.s32 $0xFFFFE000  }
0x101: {  	v2 =	vld.msk [tilespmem:s25+$0xFFFFFFF0], $0xff;
	_ =	sdelay $0x4  }
0x102: {  	v3 =	vshll.u32 v2, $0x3  }
0x103: {  	v2 =	vand.u32 $0x7, v2;
	v3 =	vand.u32 $0xFFFFFFC0, v3  }
0x104: {  	v2 =	vor.u32 v2, v3  }
0x105: {  	v2 =	vperm.xlane v2, v0;
	_ =	sdelay $0x1  }
0x106: {  	v2 =	vadd.s32 v1, v2;
	_ =	sdelay $0x4  }
0x107: {  	[tilespmem:s10], [sflag:$0x6] =	stream.indirect_vreg.gather [hbm4b:s1+s3], $0x80, v2, vm0, $0xb8;
	[tilespmem:$0x10200] =	vst v63  }
0x108: {  	s2 =	simm.s32 $0xAA00  }
0x109: {  	[tilespmem:s2], [sflag:$0x6] =	stream.indirect_vreg.gather [hbm4b:s5+s3], $0x80, v2, vm0, $0xb8;
	[tilespmem:$0x10200] =	vst v63  }
0x10a: {  	s17 =	simm.s32 $0xB200  }
0x10b: {  	[tilespmem:s17], [sflag:$0x6] =	stream.indirect_vreg.gather [hbm4b:s6+s3], $0x80, v2, vm0, $0xb8;
	[tilespmem:$0x10200] =	vst v63  }
0x10c: {  	s23 =	simm.s32 $0xBA00  }
0x10d: {  	[tilespmem:s23], [sflag:$0x6] =	stream.indirect_vreg.gather [hbm4b:s7+s3], $0x80, v2, vm0, $0xb8;
	[tilespmem:$0x10200] =	vst v63  }
0x10e: {  	_ =	swait.ge [sflag:s15], $0x2000  }
0x10f: {  	s10 =	simm.s32 $0xC200;
	s9 =	rddreg [dreg:$0x5];
	[sflag:s15] =	ssyncset.done $0x0  }
0x110: {  	[sflag:s15] =	ssyncadd.s32 $0xFFFFE000;
	s23 =	sadd.s32 s26, s9;
	s9 =	simm.s32 $0xF  }
0x111: {  	[hbm4b:s23+s3] =	stream.linear.scatter [tilespmem:s10], [sflag:$0xF], $0x2000, $0x38;
	[tilespmem:$0x10200] =	vst v63  }
0x112: {  	_ =	swait.ge [sflag:s9], $0x2000  }
0x113: {  	[sflag:s9] =	ssyncset.done $0x0  }
0x114: {  	[sflag:s9] =	ssyncadd.s32 $0xFFFFE000  }
0x115: {  	v2 =	vld.msk [tilespmem:s25+$0xFFFFFFF8], $0xff;
	_ =	sdelay $0x4  }
0x116: {  	v3 =	vshll.u32 v2, $0x3  }
0x117: {  	v2 =	vand.u32 $0x7, v2;
	v3 =	vand.u32 $0xFFFFFFC0, v3  }
0x118: {  	v2 =	vor.u32 v2, v3  }
0x119: {  	v2 =	vperm.xlane v2, v0;
	_ =	sdelay $0x1  }
0x11a: {  	v2 =	vadd.s32 v1, v2;
	_ =	sdelay $0x4  }
0x11b: {  	[tilespmem:s10], [sflag:$0x7] =	stream.indirect_vreg.gather [hbm4b:s1+s3], $0x80, v2, vm0, $0xb8;
	[tilespmem:$0x10200] =	vst v63  }
0x11c: {  	s4 =	simm.s32 $0xCA00  }
0x11d: {  	[tilespmem:s4], [sflag:$0x7] =	stream.indirect_vreg.gather [hbm4b:s5+s3], $0x80, v2, vm0, $0xb8;
	[tilespmem:$0x10200] =	vst v63  }
0x11e: {  	s10 =	simm.s32 $0xD200  }
0x11f: {  	[tilespmem:s10], [sflag:$0x7] =	stream.indirect_vreg.gather [hbm4b:s6+s3], $0x80, v2, vm0, $0xb8;
	[tilespmem:$0x10200] =	vst v63  }
0x120: {  	s23 =	simm.s32 $0xDA00  }
0x121: {  	[tilespmem:s23], [sflag:$0x7] =	stream.indirect_vreg.gather [hbm4b:s7+s3], $0x80, v2, vm0, $0xb8;
	[tilespmem:$0x10200] =	vst v63  }
0x122: {  	_ =	swait.ge [sflag:s13], $0x2000  }
0x123: {  	s10 =	rddreg [dreg:$0x4];
	[sflag:s13] =	ssyncset.done $0x0  }
0x124: {  	[sflag:s13] =	ssyncadd.s32 $0xFFFFE000;
	s23 =	sadd.s32 s26, s10;
	s10 =	simm.s32 $0xE200  }
0x125: {  	[hbm4b:s23+s3] =	stream.linear.scatter [tilespmem:s10], [sflag:$0x10], $0x2000, $0x38;
	[tilespmem:$0x10200] =	vst v63  }
0x126: {  	s23 =	simm.s32 $0x10  }
0x127: {  	_ =	swait.ge [sflag:s23], $0x2000  }
0x128: {  	[sflag:s23] =	ssyncset.done $0x0  }
0x129: {  	[sflag:s23] =	ssyncadd.s32 $0xFFFFE000  }
0x12a: {  	v2 =	vld.msk [tilespmem:s25+$0x0], $0xff;
	_ =	sdelay $0x4  }
0x12b: {  	v3 =	vshll.u32 v2, $0x3  }
0x12c: {  	v2 =	vand.u32 $0x7, v2;
	v3 =	vand.u32 $0xFFFFFFC0, v3  }
0x12d: {  	v2 =	vor.u32 v2, v3  }
0x12e: {  	v2 =	vperm.xlane v2, v0;
	_ =	sdelay $0x1  }
0x12f: {  	v2 =	vadd.s32 v1, v2;
	_ =	sdelay $0x3  }
0x130: {  	s28 =	simm.s32 $0x200;
	s8 =	simm.s32 $0x2200;
	s29 =	simm.s32 $0x8200  }
0x131: {  	[tilespmem:s10], [sflag:$0x8] =	stream.indirect_vreg.gather [hbm4b:s1+s3], $0x80, v2, vm0, $0xb8;
	[tilespmem:$0x10200] =	vst v63  }
0x132: {  	s31 =	simm.s32 $0xA200;
	p0 =	sne.s32 s26, $0xC000;
	s10 =	simm.s32 $0xEA00  }
0x133: {  	[tilespmem:s10], [sflag:$0x8] =	stream.indirect_vreg.gather [hbm4b:s5+s3], $0x80, v2, vm0, $0xb8;
	[tilespmem:$0x10200] =	vst v63  }
.Ltmp0:
0x134: {  	s18 =	simm.s32 $0x4200;
	s16 =	simm.s32 $0x6200;
	(pc) =	sbr.rel @p0 .LBB2_2-.Ltmp0, $4  }
0x135: {  	s17 =	simm.s32 $0xC200;
	s9 =	simm.s32 $0xE200;
	s23 =	simm.s32 $0xF200  }
0x136: {  	[tilespmem:s23], [sflag:$0x8] =	stream.indirect_vreg.gather [hbm4b:s6+s3], $0x80, v2, vm0, $0xb8;
	[tilespmem:$0x10200] =	vst v63  }
0x137: {  	s26 =	sadd.s32 $0x2000, s26;
	s25 =	sadd.s32 $0x40, s25;
	s23 =	simm.s32 $0xFA00  }
0x138: {  	[tilespmem:s23], [sflag:$0x8] =	stream.indirect_vreg.gather [hbm4b:s7+s3], $0x80, v2, vm0, $0xb8;
	[tilespmem:$0x10200] =	vst v63  }
0x139: {  	_ =	swait.ge [sflag:s11], $0x2000  }
0x13a: {  	[sflag:s11] =	ssyncset.done $0x0  }
0x13b: {  	s23 =	rddreg [dreg:$0xd];
	[sflag:s11] =	ssyncadd.s32 $0xFFFFE000  }
0x13c: {  	[hbm4b:s23+s3] =	stream.linear.scatter [tilespmem:s28], [sflag:$0x9], $0x2000, $0x38;
	[tilespmem:$0x10200] =	vst v63  }
0x13d: {  	_ =	swait.ge [sflag:s14], $0x2000  }
0x13e: {  	[sflag:s14] =	ssyncset.done $0x0  }
0x13f: {  	s25 =	rddreg [dreg:$0xe];
	[sflag:s14] =	ssyncadd.s32 $0xFFFFE000  }
0x140: {  	[hbm4b:s25+s3] =	stream.linear.scatter [tilespmem:s8], [sflag:$0xA], $0x2000, $0x38;
	[tilespmem:$0x10200] =	vst v63  }
0x141: {  	_ =	swait.ge [sflag:s19], $0x2000  }
0x142: {  	[sflag:s19] =	ssyncset.done $0x0  }
0x143: {  	s26 =	rddreg [dreg:$0xf];
	[sflag:s19] =	ssyncadd.s32 $0xFFFFE000  }
0x144: {  	[hbm4b:s26+s3] =	stream.linear.scatter [tilespmem:s18], [sflag:$0xB], $0x2000, $0x38;
	[tilespmem:$0x10200] =	vst v63  }
0x145: {  	_ =	swait.ge [sflag:s21], $0x2000  }
0x146: {  	[sflag:s21] =	ssyncset.done $0x0  }
0x147: {  	s11 =	rddreg [dreg:$0x10];
	[sflag:s21] =	ssyncadd.s32 $0xFFFFE000  }
0x148: {  	[hbm4b:s11+s3] =	stream.linear.scatter [tilespmem:s16], [sflag:$0xC], $0x2000, $0x38;
	[tilespmem:$0x10200] =	vst v63  }
0x149: {  	_ =	swait.ge [sflag:s24], $0x2000  }
0x14a: {  	[sflag:s24] =	ssyncset.done $0x0  }
0x14b: {  	s25 =	rddreg [dreg:$0x11];
	[sflag:s24] =	ssyncadd.s32 $0xFFFFE000  }
0x14c: {  	[hbm4b:s25+s3] =	stream.linear.scatter [tilespmem:s29], [sflag:$0xD], $0x2000, $0x38;
	[tilespmem:$0x10200] =	vst v63  }
0x14d: {  	_ =	swait.ge [sflag:s20], $0x2000  }
0x14e: {  	[sflag:s20] =	ssyncset.done $0x0  }
0x14f: {  	s26 =	rddreg [dreg:$0x12];
	[sflag:s20] =	ssyncadd.s32 $0xFFFFE000  }
0x150: {  	[hbm4b:s26+s3] =	stream.linear.scatter [tilespmem:s31], [sflag:$0xE], $0x2000, $0x38;
	[tilespmem:$0x10200] =	vst v63  }
0x151: {  	_ =	swait.ge [sflag:s15], $0x2000  }
0x152: {  	[sflag:s15] =	ssyncset.done $0x0  }
0x153: {  	s11 =	rddreg [dreg:$0x13];
	[sflag:s15] =	ssyncadd.s32 $0xFFFFE000  }
0x154: {  	[hbm4b:s11+s3] =	stream.linear.scatter [tilespmem:s17], [sflag:$0xF], $0x2000, $0x38;
	[tilespmem:$0x10200] =	vst v63  }
0x155: {  	_ =	swait.ge [sflag:s13], $0x2000  }
0x156: {  	[sflag:s13] =	ssyncset.done $0x0  }
0x157: {  	s26 =	simm.s32 $0x9;
	s25 =	rddreg [dreg:$0x14];
	[sflag:s13] =	ssyncadd.s32 $0xFFFFE000  }
0x158: {  	[hbm4b:s25+s3] =	stream.linear.scatter [tilespmem:s9], [sflag:$0x10], $0x2000, $0x38;
	[tilespmem:$0x10200] =	vst v63  }
0x159: {  	_ =	swait.ge [sflag:s26], $0x2000  }
0x15a: {  	[sflag:s26] =	ssyncset.done $0x0  }
0x15b: {  	s13 =	simm.s32 $0xA;
	[sflag:s26] =	ssyncadd.s32 $0xFFFFE000  }
0x15c: {  	_ =	swait.ge [sflag:s13], $0x2000  }
0x15d: {  	[sflag:s13] =	ssyncset.done $0x0  }
0x15e: {  	s23 =	simm.s32 $0xB;
	[sflag:s13] =	ssyncadd.s32 $0xFFFFE000  }
0x15f: {  	_ =	swait.ge [sflag:s23], $0x2000  }
0x160: {  	[sflag:s23] =	ssyncset.done $0x0  }
0x161: {  	s25 =	simm.s32 $0xC;
	[sflag:s23] =	ssyncadd.s32 $0xFFFFE000  }
0x162: {  	_ =	swait.ge [sflag:s25], $0x2000  }
0x163: {  	[sflag:s25] =	ssyncset.done $0x0  }
0x164: {  	s26 =	simm.s32 $0xD;
	[sflag:s25] =	ssyncadd.s32 $0xFFFFE000  }
0x165: {  	_ =	swait.ge [sflag:s26], $0x2000  }
0x166: {  	[sflag:s26] =	ssyncset.done $0x0  }
0x167: {  	s13 =	simm.s32 $0xE;
	[sflag:s26] =	ssyncadd.s32 $0xFFFFE000  }
0x168: {  	_ =	swait.ge [sflag:s13], $0x2000  }
0x169: {  	[sflag:s13] =	ssyncset.done $0x0  }
0x16a: {  	s23 =	simm.s32 $0xF;
	[sflag:s13] =	ssyncadd.s32 $0xFFFFE000  }
0x16b: {  	_ =	swait.ge [sflag:s23], $0x2000  }
0x16c: {  	[sflag:s23] =	ssyncset.done $0x0  }
0x16d: {  	s13 =	simm.s32 $0x10;
	[sflag:s23] =	ssyncadd.s32 $0xFFFFE000  }
0x16e: {  	_ =	swait.ge [sflag:s13], $0x2000  }
0x16f: {  	s25 =	rddreg [dreg:$0x16]  }
0x170: {  	s26 =	rddreg [dreg:$0x15];
	s11 =	sadd.s32 $0x1, s25  }
0x171: {  	p0 =	sne.s32 s11, s26  }
.Ltmp1:
0x172: {  	_ = 	snop;
	(pc) =	sbr.rel @p0 .LBB2_1-.Ltmp1, $3  }
0x173: {  	_ =	sdelay $0x1  }
0x174: {  	[sflag:s13] =	ssyncset.done $0x0  }
0x175: {  	s28 =	simm.s32 $0x1A00;
	[sflag:s13] =	ssyncadd.s32 $0xFFFFE000  }
0x176: {  	_ =	sfence.sel $0x180000  }
0x177: {  	[bflag:$0x0] =	sbarrier.arrive $0xFFFF  }
0x178: {  	_ =	strace $0x90000047  }
0x179: {  	s0 =	stileid.u32;
	[bflag:$0x2] =	sbarrier.arrive $0xFFFF  }
0x17a: {  	p0 =	sne.s32 s0, $0x0;
	s0 =	rddreg [dreg:$0x3]  }
0x17b: {  	s0 =	sadd.s32 @!p0 $0x100000, s0  }
0x17c: {  	[sflag:s0] =	ssyncadd.tile.s32 @!p0 $0x1;
	_ =	shalt  }
.Lfunc_end2:
_tile_overlayer_lowered:
.L_overlay_start_2:
0x17d: {  	(tag) =	ssettag $0x2  }
0x17e: {  	s0 =	rddreg [dreg:$0x0];
	s2 =	stileid.u32  }
0x17f: {  	s1 =	rddreg [dreg:$0x1];
	p0 =	sne.s32 s2, $0x0  }
0x180: {  	s3 =	rddreg [dreg:$0x2];
	[bflag:$0x3] =	sbarrier.arrive $0xFFFF;
	s2 =	simm.s32 @!p0 $0x1C11  }
0x181: {  	[timem:s3], [sflag:s2] =	dma.local @!p0 [hbm:s0], s1  }
0x182: {  	s0 =	simm.s32 @!p0 $0x11  }
0x183: {  	_ =	swait.ge @!p0 [sflag:s0], s1  }
0x184: {  	s1 =	ssub.s32 @!p0 $0x0, s1;
	[sflag:s0] =	ssyncset.done @!p0 $0x0  }
0x185: {  	[sflag:s0] =	ssyncadd.s32 @!p0 s1  }
0x186: {  	[bflag:$0x3] =	sbarrier.arrive $0xFFFF  }
0x187: {  	_ =	shalt  }

</sc_bundles>
